<compile_context>
chip_gen: v7x
topology: tpu7x:2x2x1
jax: 0.10.2.dev20260603
libtpu: 0.0.44.dev20260713+nightly
codegen_flags: <defaults>
</compile_context>

<pallas_src>
import jax
import jax.numpy as jnp
from jax import lax
from jax.experimental import pallas as pl
from jax.experimental.pallas import tpu as pltpu
from jax.experimental.pallas import tpu_sc as plsc

N_NODES = 10000
N_EDGES = 320000
D = 128

NC = 2
NS = 16
L = 16

CHUNK = 128
EDGES_PER_CORE = N_EDGES // NC
CHUNKS_PER_CORE = EDGES_PER_CORE // CHUNK
CHUNKS_BASE = CHUNKS_PER_CORE // NS
CHUNKS_REM = CHUNKS_PER_CORE % NS

N_PAD = 10240
ROW_CHUNK = 128
ROW_CHUNKS_PER_SUB = N_PAD // NS // ROW_CHUNK


def _make_edge_agg(use_cids: bool):
    mesh = plsc.VectorSubcoreMesh(
        core_axis_name="c", subcore_axis_name="s", num_cores=NC, num_subcores=NS
    )

    scratch = [
        pltpu.VMEM_SHARED((N_PAD, D), jnp.float32),
        pltpu.VMEM((2, CHUNK), jnp.int32),
        pltpu.VMEM((CHUNK,), jnp.int32),
        pltpu.VMEM((CHUNK, D), jnp.float32),
        pltpu.SemaphoreType.DMA,
    ]
    if use_cids:
        scratch.insert(1, pltpu.VMEM((N_NODES,), jnp.int32))

    def body(*refs):
        if use_cids:
            (table, ed, cids, zeros, out,
             acc, cncpt_v, ed_v, cid_v, rows_v, sem) = refs
        else:
            (table, ed, zeros, out,
             acc, ed_v, cid_v, rows_v, sem) = refs

        c = lax.axis_index("c")
        s = lax.axis_index("s")

        for k in range(ROW_CHUNKS_PER_SUB):
            row0 = (s * ROW_CHUNKS_PER_SUB + k) * ROW_CHUNK
            pltpu.sync_copy(zeros, acc.at[pl.ds(row0, ROW_CHUNK)])
        if use_cids:
            pltpu.sync_copy(cids, cncpt_v)
        plsc.subcore_barrier()

        nloc = CHUNKS_BASE + jnp.where(s < CHUNKS_REM, 1, 0)

        def step(i, carry):
            chunk = i * NS + s
            row = c * CHUNKS_PER_CORE + chunk
            pltpu.sync_copy(ed.at[row], ed_v)
            if use_cids:
                for j in range(CHUNK // L):
                    v = ed_v[0, pl.ds(j * L, L)]
                    cid_v[pl.ds(j * L, L)] = plsc.load_gather(cncpt_v, [v])
                idx = cid_v
            else:
                idx = ed_v.at[0]
            pltpu.async_copy(table.at[idx], rows_v, sem).wait()
            pltpu.sync_copy(rows_v, acc.at[ed_v.at[1]], add=True)
            return carry

        lax.fori_loop(0, nloc, step, 0)
        plsc.subcore_barrier()

        for k in range(ROW_CHUNKS_PER_SUB):
            row0 = (s * ROW_CHUNKS_PER_SUB + k) * ROW_CHUNK
            pltpu.sync_copy(acc.at[pl.ds(row0, ROW_CHUNK)], out.at[c, pl.ds(row0, ROW_CHUNK)])

    return pl.kernel(
        body,
        out_type=jax.ShapeDtypeStruct((NC, N_PAD, D), jnp.float32),
        mesh=mesh,
        scratch_types=scratch,
        compiler_params=pltpu.CompilerParams(needs_layout_passes=False),
        name="edge_agg_cids" if use_cids else "edge_agg",
    )


def _linear_relu_body(p_ref, w_ref, b_ref, o_ref):
    x = p_ref[0] + p_ref[1]
    y = jnp.dot(x, w_ref[...], preferred_element_type=jnp.float32) + b_ref[...]
    o_ref[...] = jnp.maximum(y, 0.0)


def _linear_relu(parts, W, b):
    BN = 2000
    return pl.pallas_call(
        _linear_relu_body,
        grid=(N_NODES // BN,),
        in_specs=[
            pl.BlockSpec((NC, BN, D), lambda i: (0, i, 0)),
            pl.BlockSpec((D, D), lambda i: (0, 0)),
            pl.BlockSpec((1, D), lambda i: (0, 0)),
        ],
        out_specs=pl.BlockSpec((BN, D), lambda i: (i, 0)),
        out_shape=jax.ShapeDtypeStruct((N_NODES, D), jnp.float32),
    )(parts, W, b.reshape(1, D))


@jax.jit
def kernel(cncpt_ids, edge_index, emb, W1, b1, W2, b2):
    ed = jnp.stack(
        [edge_index[0].reshape(-1, CHUNK), edge_index[1].reshape(-1, CHUNK)],
        axis=1,
    )
    zeros = jnp.zeros((ROW_CHUNK, D), jnp.float32)

    agg1 = _make_edge_agg(True)(emb, ed, cncpt_ids, zeros)
    h1 = _linear_relu(agg1, W1, b1)
    agg2 = _make_edge_agg(False)(h1, ed, zeros)
    h2 = _linear_relu(agg2, W2, b2)
    return h2

# --- scband reference (transcript-rebuilt; emitter-appended) ---
"""Pipeline reference for scband-knowledge-aware-graph-network-2637109919866 (READ-ONLY COPY).

The authoritative reference and input builder live on the scoring server;
editing this copy changes nothing except your own understanding.
"""

import jax, jax.numpy as jnp
import numpy as np

N_NODES = 10000
N_EDGES = 320000
CONCEPT_NUM = 100000
CONCEPT_DIM = 128
HIDDEN_DIM = 128
OUTPUT_DIM = 128


def setup_inputs(seed: int = 0) -> dict:
    key = jax.random.key(seed)
    ks = jax.random.split(key, 8)
    cncpt_ids = jax.random.randint(ks[0], (N_NODES,), 0, CONCEPT_NUM, dtype=jnp.int32)
    edge_index = jax.random.randint(ks[1], (2, N_EDGES), 0, N_NODES, dtype=jnp.int32)
    bias = float(np.sqrt(6.0 / CONCEPT_DIM))
    emb = jax.random.uniform(ks[2], (CONCEPT_NUM, CONCEPT_DIM), minval=-bias, maxval=bias, dtype=jnp.float32)

    def xavier(k, fan_in, fan_out):
        std = float(np.sqrt(2.0 / (fan_in + fan_out)))
        return jax.random.normal(k, (fan_in, fan_out), dtype=jnp.float32) * std

    W1 = xavier(ks[3], CONCEPT_DIM, HIDDEN_DIM)
    b1 = jax.random.normal(ks[4], (HIDDEN_DIM,), dtype=jnp.float32) * 0.01
    W2 = xavier(ks[5], HIDDEN_DIM, OUTPUT_DIM)
    b2 = jax.random.normal(ks[6], (OUTPUT_DIM,), dtype=jnp.float32) * 0.01
    return {"cncpt_ids": cncpt_ids, "edge_index": edge_index, "emb": emb,
            "W1": W1, "b1": b1, "W2": W2, "b2": b2}


def _gcn_layer(h, src, dst, W, b):
    # DGL update_all(copy_src('h'), sum('m')) : gather src features, scatter-add to dst
    m = jnp.take(h, src, axis=0)
    agg = jax.ops.segment_sum(m, dst, num_segments=N_NODES)
    # NodeApplyModule: Linear + activation (ReLU)
    return jax.nn.relu(agg @ W + b)


def reference(cncpt_ids, edge_index, emb, W1, b1, W2, b2):
    # GCNEncoder.forward: features = concept_emd(g.ndata['cncpt_ids'])
    src = edge_index[0]
    dst = edge_index[1]
    feats = jnp.take(emb, cncpt_ids, axis=0)
    h1 = _gcn_layer(feats, src, dst, W1, b1)
    h2 = _gcn_layer(h1, src, dst, W2, b2)
    return h2

if __name__ == "__main__":
    import jax
    _d = setup_inputs()
    print(jax.jit(kernel)(*tuple(_d.values())))

</pallas_src>

<mosaic_0001>
#map = affine_map<(d0, d1) -> (0, 0)>
#map1 = affine_map<(d0, d1) -> (0, 0, 0)>
#map2 = affine_map<(d0, d1) -> (0)>
module attributes {stable_mosaic.version = 14 : i64} {
  func.func @edge_agg_cids(%arg0: i32, %arg1: i32, %arg2: memref<100000x128xf32, #tpu.memory_space<hbm>>, %arg3: memref<2500x2x128xi32, #tpu.memory_space<hbm>>, %arg4: memref<10000xi32, #tpu.memory_space<hbm>>, %arg5: memref<128x128xf32, #tpu.memory_space<hbm>>, %arg6: memref<2x10240x128xf32, #tpu.memory_space<hbm>>, %arg7: memref<10240x128xf32, #tpu.memory_space<vmem_shared>>, %arg8: memref<10000xi32, #tpu.memory_space<vmem>>, %arg9: memref<2x128xi32, #tpu.memory_space<vmem>>, %arg10: memref<128xi32, #tpu.memory_space<vmem>>, %arg11: memref<128x128xf32, #tpu.memory_space<vmem>>, %arg12: memref<!tpu.dma_semaphore, #tpu.memory_space<semaphore_mem>>) attributes {dimension_semantics = [#tpu.dimension_semantics<core_parallel>, #tpu.dimension_semantics<subcore_parallel>], iteration_bounds = array<i64: 2, 16>, scalar_prefetch = 0 : i64, scratch_operands = 6 : i64, tpu.core_type = #tpu.core_type<sc_vector_subcore>, window_params = [{transform_indices = #map}, {transform_indices = #map1}, {transform_indices = #map2}, {transform_indices = #map}, {transform_indices = #map1}]} {
    %mul3A = arith.constant 5 : i32
    %mul3A_0 = arith.muli %arg1, %mul3A : i32
    %add3A = arith.constant 0 : i32
    %add3A_1 = arith.addi %mul3A_0, %add3A : i32
    %mul3A_2 = arith.constant 128 : i32
    %mul3A_3 = arith.muli %add3A_1, %mul3A_2 : i32
    "tpu.region"() ({
      %run_scoped3A = tpu.sem_alloc : memref<!tpu.dma_semaphore, #tpu.memory_space<semaphore_mem>>
      %dma_start3A = arith.constant 0 : i32
      %dma_start3A_72 = tpu.memref_slice %arg7[%mul3A_3, %dma_start3A] : memref<10240x128xf32, #tpu.memory_space<vmem_shared>> -> memref<128x128xf32, #tpu.memory_space<vmem_shared>>
      tpu.enqueue_dma source(%arg5 : memref<128x128xf32, #tpu.memory_space<hbm>>) target(%dma_start3A_72 : memref<128x128xf32, #tpu.memory_space<vmem_shared>>) target_semaphore(%run_scoped3A : memref<!tpu.dma_semaphore, #tpu.memory_space<semaphore_mem>>)
      %dma_wait3A = arith.constant 0 : i32
      %dma_wait3A_73 = tpu.memref_slice %arg7[%mul3A_3, %dma_wait3A] : memref<10240x128xf32, #tpu.memory_space<vmem_shared>> -> memref<128x128xf32, #tpu.memory_space<vmem_shared>>
      tpu.wait_dma2 semaphore(%run_scoped3A : memref<!tpu.dma_semaphore, #tpu.memory_space<semaphore_mem>>) src(%arg5 : memref<128x128xf32, #tpu.memory_space<hbm>>) dst(%dma_wait3A_73 : memref<128x128xf32, #tpu.memory_space<vmem_shared>>)
      tpu.yield
    }) : () -> ()
    %mul3A_4 = arith.constant 5 : i32
    %mul3A_5 = arith.muli %arg1, %mul3A_4 : i32
    %add3A_6 = arith.constant 1 : i32
    %add3A_7 = arith.addi %mul3A_5, %add3A_6 : i32
    %mul3A_8 = arith.constant 128 : i32
    %mul3A_9 = arith.muli %add3A_7, %mul3A_8 : i32
    "tpu.region"() ({
      %run_scoped3A = tpu.sem_alloc : memref<!tpu.dma_semaphore, #tpu.memory_space<semaphore_mem>>
      %dma_start3A = arith.constant 0 : i32
      %dma_start3A_72 = tpu.memref_slice %arg7[%mul3A_9, %dma_start3A] : memref<10240x128xf32, #tpu.memory_space<vmem_shared>> -> memref<128x128xf32, #tpu.memory_space<vmem_shared>>
      tpu.enqueue_dma source(%arg5 : memref<128x128xf32, #tpu.memory_space<hbm>>) target(%dma_start3A_72 : memref<128x128xf32, #tpu.memory_space<vmem_shared>>) target_semaphore(%run_scoped3A : memref<!tpu.dma_semaphore, #tpu.memory_space<semaphore_mem>>)
      %dma_wait3A = arith.constant 0 : i32
      %dma_wait3A_73 = tpu.memref_slice %arg7[%mul3A_9, %dma_wait3A] : memref<10240x128xf32, #tpu.memory_space<vmem_shared>> -> memref<128x128xf32, #tpu.memory_space<vmem_shared>>
      tpu.wait_dma2 semaphore(%run_scoped3A : memref<!tpu.dma_semaphore, #tpu.memory_space<semaphore_mem>>) src(%arg5 : memref<128x128xf32, #tpu.memory_space<hbm>>) dst(%dma_wait3A_73 : memref<128x128xf32, #tpu.memory_space<vmem_shared>>)
      tpu.yield
    }) : () -> ()
    %mul3A_10 = arith.constant 5 : i32
    %mul3A_11 = arith.muli %arg1, %mul3A_10 : i32
    %add3A_12 = arith.constant 2 : i32
    %add3A_13 = arith.addi %mul3A_11, %add3A_12 : i32
    %mul3A_14 = arith.constant 128 : i32
    %mul3A_15 = arith.muli %add3A_13, %mul3A_14 : i32
    "tpu.region"() ({
      %run_scoped3A = tpu.sem_alloc : memref<!tpu.dma_semaphore, #tpu.memory_space<semaphore_mem>>
      %dma_start3A = arith.constant 0 : i32
      %dma_start3A_72 = tpu.memref_slice %arg7[%mul3A_15, %dma_start3A] : memref<10240x128xf32, #tpu.memory_space<vmem_shared>> -> memref<128x128xf32, #tpu.memory_space<vmem_shared>>
      tpu.enqueue_dma source(%arg5 : memref<128x128xf32, #tpu.memory_space<hbm>>) target(%dma_start3A_72 : memref<128x128xf32, #tpu.memory_space<vmem_shared>>) target_semaphore(%run_scoped3A : memref<!tpu.dma_semaphore, #tpu.memory_space<semaphore_mem>>)
      %dma_wait3A = arith.constant 0 : i32
      %dma_wait3A_73 = tpu.memref_slice %arg7[%mul3A_15, %dma_wait3A] : memref<10240x128xf32, #tpu.memory_space<vmem_shared>> -> memref<128x128xf32, #tpu.memory_space<vmem_shared>>
      tpu.wait_dma2 semaphore(%run_scoped3A : memref<!tpu.dma_semaphore, #tpu.memory_space<semaphore_mem>>) src(%arg5 : memref<128x128xf32, #tpu.memory_space<hbm>>) dst(%dma_wait3A_73 : memref<128x128xf32, #tpu.memory_space<vmem_shared>>)
      tpu.yield
    }) : () -> ()
    %mul3A_16 = arith.constant 5 : i32
    %mul3A_17 = arith.muli %arg1, %mul3A_16 : i32
    %add3A_18 = arith.constant 3 : i32
    %add3A_19 = arith.addi %mul3A_17, %add3A_18 : i32
    %mul3A_20 = arith.constant 128 : i32
    %mul3A_21 = arith.muli %add3A_19, %mul3A_20 : i32
    "tpu.region"() ({
      %run_scoped3A = tpu.sem_alloc : memref<!tpu.dma_semaphore, #tpu.memory_space<semaphore_mem>>
      %dma_start3A = arith.constant 0 : i32
      %dma_start3A_72 = tpu.memref_slice %arg7[%mul3A_21, %dma_start3A] : memref<10240x128xf32, #tpu.memory_space<vmem_shared>> -> memref<128x128xf32, #tpu.memory_space<vmem_shared>>
      tpu.enqueue_dma source(%arg5 : memref<128x128xf32, #tpu.memory_space<hbm>>) target(%dma_start3A_72 : memref<128x128xf32, #tpu.memory_space<vmem_shared>>) target_semaphore(%run_scoped3A : memref<!tpu.dma_semaphore, #tpu.memory_space<semaphore_mem>>)
      %dma_wait3A = arith.constant 0 : i32
      %dma_wait3A_73 = tpu.memref_slice %arg7[%mul3A_21, %dma_wait3A] : memref<10240x128xf32, #tpu.memory_space<vmem_shared>> -> memref<128x128xf32, #tpu.memory_space<vmem_shared>>
      tpu.wait_dma2 semaphore(%run_scoped3A : memref<!tpu.dma_semaphore, #tpu.memory_space<semaphore_mem>>) src(%arg5 : memref<128x128xf32, #tpu.memory_space<hbm>>) dst(%dma_wait3A_73 : memref<128x128xf32, #tpu.memory_space<vmem_shared>>)
      tpu.yield
    }) : () -> ()
    %mul3A_22 = arith.constant 5 : i32
    %mul3A_23 = arith.muli %arg1, %mul3A_22 : i32
    %add3A_24 = arith.constant 4 : i32
    %add3A_25 = arith.addi %mul3A_23, %add3A_24 : i32
    %mul3A_26 = arith.constant 128 : i32
    %mul3A_27 = arith.muli %add3A_25, %mul3A_26 : i32
    "tpu.region"() ({
      %run_scoped3A = tpu.sem_alloc : memref<!tpu.dma_semaphore, #tpu.memory_space<semaphore_mem>>
      %dma_start3A = arith.constant 0 : i32
      %dma_start3A_72 = tpu.memref_slice %arg7[%mul3A_27, %dma_start3A] : memref<10240x128xf32, #tpu.memory_space<vmem_shared>> -> memref<128x128xf32, #tpu.memory_space<vmem_shared>>
      tpu.enqueue_dma source(%arg5 : memref<128x128xf32, #tpu.memory_space<hbm>>) target(%dma_start3A_72 : memref<128x128xf32, #tpu.memory_space<vmem_shared>>) target_semaphore(%run_scoped3A : memref<!tpu.dma_semaphore, #tpu.memory_space<semaphore_mem>>)
      %dma_wait3A = arith.constant 0 : i32
      %dma_wait3A_73 = tpu.memref_slice %arg7[%mul3A_27, %dma_wait3A] : memref<10240x128xf32, #tpu.memory_space<vmem_shared>> -> memref<128x128xf32, #tpu.memory_space<vmem_shared>>
      tpu.wait_dma2 semaphore(%run_scoped3A : memref<!tpu.dma_semaphore, #tpu.memory_space<semaphore_mem>>) src(%arg5 : memref<128x128xf32, #tpu.memory_space<hbm>>) dst(%dma_wait3A_73 : memref<128x128xf32, #tpu.memory_space<vmem_shared>>)
      tpu.yield
    }) : () -> ()
    "tpu.region"() ({
      %run_scoped3A = tpu.sem_alloc : memref<!tpu.dma_semaphore, #tpu.memory_space<semaphore_mem>>
      tpu.enqueue_dma source(%arg4 : memref<10000xi32, #tpu.memory_space<hbm>>) target(%arg8 : memref<10000xi32, #tpu.memory_space<vmem>>) target_semaphore(%run_scoped3A : memref<!tpu.dma_semaphore, #tpu.memory_space<semaphore_mem>>)
      tpu.wait_dma2 semaphore(%run_scoped3A : memref<!tpu.dma_semaphore, #tpu.memory_space<semaphore_mem>>) src(%arg4 : memref<10000xi32, #tpu.memory_space<hbm>>) dst(%arg8 : memref<10000xi32, #tpu.memory_space<vmem>>)
      tpu.yield
    }) : () -> ()
    %barrier3A = arith.constant 0 : index
    tpu.barrier barrier_id(%barrier3A)
    %lt3A = arith.constant 2 : i32
    %lt3A_28 = arith.cmpi slt, %arg1, %lt3A : i32
    %jit3A = arith.constant 1 : i32
    %jit3A_29 = arith.constant 0 : i32
    %select_n3A = arith.select %lt3A_28, %jit3A, %jit3A_29 : i32
    %add3A_30 = arith.constant 78 : i32
    %add3A_31 = arith.addi %add3A_30, %select_n3A : i32
    %while3A = arith.constant 0 : i32
    %while3A_32 = arith.constant 0 : i32
    %while3A_33 = arith.subi %add3A_31, %while3A_32 : i32
    %while3A_34 = arith.addi %while3A_32, %while3A_33 : i32
    %while3A_35 = arith.constant 1 : i32
    %while3A_36 = arith.divsi %while3A_33, %while3A_35 : i32
    %while3A_37 = arith.muli %while3A_36, %while3A_35 : i32
    %while3A_38 = arith.addi %while3A_32, %while3A_37 : i32
    %while3A_39 = arith.constant 1 : i32
    scf.for %while3A_72 = %while3A_32 to %while3A_38 step %while3A_39  : i32 {
      %mul3A_73 = arith.constant 16 : i32
      %mul3A_74 = arith.muli %while3A_72, %mul3A_73 : i32
      %add3A_75 = arith.addi %mul3A_74, %arg1 : i32
      %mul3A_76 = arith.constant 1250 : i32
      %mul3A_77 = arith.muli %arg0, %mul3A_76 : i32
      %add3A_78 = arith.addi %mul3A_77, %add3A_75 : i32
      "tpu.region"() ({
        %run_scoped3A_136 = tpu.sem_alloc : memref<!tpu.dma_semaphore, #tpu.memory_space<semaphore_mem>>
        %dma_start3A_137 = arith.constant 0 : i32
        %dma_start3A_138 = arith.constant 0 : i32
        %dma_start3A_139 = tpu.memref_slice %arg3[%add3A_78, %dma_start3A_137, %dma_start3A_138] : memref<2500x2x128xi32, #tpu.memory_space<hbm>> -> memref<1x2x128xi32, #tpu.memory_space<hbm>>
        %dma_start3A_140 = tpu.memref_squeeze %dma_start3A_139 : memref<1x2x128xi32, #tpu.memory_space<hbm>> -> memref<2x128xi32, #tpu.memory_space<hbm>>
        %dma_start3A_141 = arith.constant 0 : i32
        %dma_start3A_142 = arith.constant 0 : i32
        %dma_start3A_143 = tpu.memref_slice %arg3[%add3A_78, %dma_start3A_141, %dma_start3A_142] : memref<2500x2x128xi32, #tpu.memory_space<hbm>> -> memref<1x2x128xi32, #tpu.memory_space<hbm>>
        %dma_start3A_144 = tpu.memref_squeeze %dma_start3A_143 : memref<1x2x128xi32, #tpu.memory_space<hbm>> -> memref<2x128xi32, #tpu.memory_space<hbm>>
        tpu.enqueue_dma source(%dma_start3A_144 : memref<2x128xi32, #tpu.memory_space<hbm>>) target(%arg9 : memref<2x128xi32, #tpu.memory_space<vmem>>) target_semaphore(%run_scoped3A_136 : memref<!tpu.dma_semaphore, #tpu.memory_space<semaphore_mem>>)
        %dma_wait3A_145 = arith.constant 0 : i32
        %dma_wait3A_146 = arith.constant 0 : i32
        %dma_wait3A_147 = tpu.memref_slice %arg3[%add3A_78, %dma_wait3A_145, %dma_wait3A_146] : memref<2500x2x128xi32, #tpu.memory_space<hbm>> -> memref<1x2x128xi32, #tpu.memory_space<hbm>>
        %dma_wait3A_148 = tpu.memref_squeeze %dma_wait3A_147 : memref<1x2x128xi32, #tpu.memory_space<hbm>> -> memref<2x128xi32, #tpu.memory_space<hbm>>
        %dma_wait3A_149 = arith.constant 0 : i32
        %dma_wait3A_150 = arith.constant 0 : i32
        %dma_wait3A_151 = tpu.memref_slice %arg3[%add3A_78, %dma_wait3A_149, %dma_wait3A_150] : memref<2500x2x128xi32, #tpu.memory_space<hbm>> -> memref<1x2x128xi32, #tpu.memory_space<hbm>>
        %dma_wait3A_152 = tpu.memref_squeeze %dma_wait3A_151 : memref<1x2x128xi32, #tpu.memory_space<hbm>> -> memref<2x128xi32, #tpu.memory_space<hbm>>
        tpu.wait_dma2 semaphore(%run_scoped3A_136 : memref<!tpu.dma_semaphore, #tpu.memory_space<semaphore_mem>>) src(%dma_wait3A_152 : memref<2x128xi32, #tpu.memory_space<hbm>>) dst(%arg9 : memref<2x128xi32, #tpu.memory_space<vmem>>)
        tpu.yield
      }) : () -> ()
      %get3A = arith.constant 0 : i32
      %get3A_79 = arith.index_cast %get3A : i32 to index
      %get3A_80 = arith.constant 0 : index
      %get3A_81 = tpu.vector_load %arg9[%get3A_79, %get3A_80] {strides = array<i32>} : memref<2x128xi32, #tpu.memory_space<vmem>>, vector<16xi32>,
      %gather3A = tpu.vector_load_idx %arg8[%get3A_81] : memref<10000xi32, #tpu.memory_space<vmem>>[vector<16xi32>], vector<16xi32>,
      %swap3A = arith.constant 0 : index
      %swap3A_82 = tpu.vector_load %arg10[%swap3A] {strides = array<i32>} : memref<128xi32, #tpu.memory_space<vmem>>, vector<16xi32>,
      tpu.vector_store %arg10[%swap3A], %gather3A {strides = array<i32>} : memref<128xi32, #tpu.memory_space<vmem>>, vector<16xi32>,
      %get3A_83 = arith.constant 0 : i32
      %get3A_84 = arith.index_cast %get3A_83 : i32 to index
      %get3A_85 = arith.constant 16 : index
      %get3A_86 = tpu.vector_load %arg9[%get3A_84, %get3A_85] {strides = array<i32>} : memref<2x128xi32, #tpu.memory_space<vmem>>, vector<16xi32>,
      %gather3A_87 = tpu.vector_load_idx %arg8[%get3A_86] : memref<10000xi32, #tpu.memory_space<vmem>>[vector<16xi32>], vector<16xi32>,
      %swap3A_88 = arith.constant 16 : index
      %swap3A_89 = tpu.vector_load %arg10[%swap3A_88] {strides = array<i32>} : memref<128xi32, #tpu.memory_space<vmem>>, vector<16xi32>,
      tpu.vector_store %arg10[%swap3A_88], %gather3A_87 {strides = array<i32>} : memref<128xi32, #tpu.memory_space<vmem>>, vector<16xi32>,
      %get3A_90 = arith.constant 0 : i32
      %get3A_91 = arith.index_cast %get3A_90 : i32 to index
      %get3A_92 = arith.constant 32 : index
      %get3A_93 = tpu.vector_load %arg9[%get3A_91, %get3A_92] {strides = array<i32>} : memref<2x128xi32, #tpu.memory_space<vmem>>, vector<16xi32>,
      %gather3A_94 = tpu.vector_load_idx %arg8[%get3A_93] : memref<10000xi32, #tpu.memory_space<vmem>>[vector<16xi32>], vector<16xi32>,
      %swap3A_95 = arith.constant 32 : index
      %swap3A_96 = tpu.vector_load %arg10[%swap3A_95] {strides = array<i32>} : memref<128xi32, #tpu.memory_space<vmem>>, vector<16xi32>,
      tpu.vector_store %arg10[%swap3A_95], %gather3A_94 {strides = array<i32>} : memref<128xi32, #tpu.memory_space<vmem>>, vector<16xi32>,
      %get3A_97 = arith.constant 0 : i32
      %get3A_98 = arith.index_cast %get3A_97 : i32 to index
      %get3A_99 = arith.constant 48 : index
      %get3A_100 = tpu.vector_load %arg9[%get3A_98, %get3A_99] {strides = array<i32>} : memref<2x128xi32, #tpu.memory_space<vmem>>, vector<16xi32>,
      %gather3A_101 = tpu.vector_load_idx %arg8[%get3A_100] : memref<10000xi32, #tpu.memory_space<vmem>>[vector<16xi32>], vector<16xi32>,
      %swap3A_102 = arith.constant 48 : index
      %swap3A_103 = tpu.vector_load %arg10[%swap3A_102] {strides = array<i32>} : memref<128xi32, #tpu.memory_space<vmem>>, vector<16xi32>,
      tpu.vector_store %arg10[%swap3A_102], %gather3A_101 {strides = array<i32>} : memref<128xi32, #tpu.memory_space<vmem>>, vector<16xi32>,
      %get3A_104 = arith.constant 0 : i32
      %get3A_105 = arith.index_cast %get3A_104 : i32 to index
      %get3A_106 = arith.constant 64 : index
      %get3A_107 = tpu.vector_load %arg9[%get3A_105, %get3A_106] {strides = array<i32>} : memref<2x128xi32, #tpu.memory_space<vmem>>, vector<16xi32>,
      %gather3A_108 = tpu.vector_load_idx %arg8[%get3A_107] : memref<10000xi32, #tpu.memory_space<vmem>>[vector<16xi32>], vector<16xi32>,
      %swap3A_109 = arith.constant 64 : index
      %swap3A_110 = tpu.vector_load %arg10[%swap3A_109] {strides = array<i32>} : memref<128xi32, #tpu.memory_space<vmem>>, vector<16xi32>,
      tpu.vector_store %arg10[%swap3A_109], %gather3A_108 {strides = array<i32>} : memref<128xi32, #tpu.memory_space<vmem>>, vector<16xi32>,
      %get3A_111 = arith.constant 0 : i32
      %get3A_112 = arith.index_cast %get3A_111 : i32 to index
      %get3A_113 = arith.constant 80 : index
      %get3A_114 = tpu.vector_load %arg9[%get3A_112, %get3A_113] {strides = array<i32>} : memref<2x128xi32, #tpu.memory_space<vmem>>, vector<16xi32>,
      %gather3A_115 = tpu.vector_load_idx %arg8[%get3A_114] : memref<10000xi32, #tpu.memory_space<vmem>>[vector<16xi32>], vector<16xi32>,
      %swap3A_116 = arith.constant 80 : index
      %swap3A_117 = tpu.vector_load %arg10[%swap3A_116] {strides = array<i32>} : memref<128xi32, #tpu.memory_space<vmem>>, vector<16xi32>,
      tpu.vector_store %arg10[%swap3A_116], %gather3A_115 {strides = array<i32>} : memref<128xi32, #tpu.memory_space<vmem>>, vector<16xi32>,
      %get3A_118 = arith.constant 0 : i32
      %get3A_119 = arith.index_cast %get3A_118 : i32 to index
      %get3A_120 = arith.constant 96 : index
      %get3A_121 = tpu.vector_load %arg9[%get3A_119, %get3A_120] {strides = array<i32>} : memref<2x128xi32, #tpu.memory_space<vmem>>, vector<16xi32>,
      %gather3A_122 = tpu.vector_load_idx %arg8[%get3A_121] : memref<10000xi32, #tpu.memory_space<vmem>>[vector<16xi32>], vector<16xi32>,
      %swap3A_123 = arith.constant 96 : index
      %swap3A_124 = tpu.vector_load %arg10[%swap3A_123] {strides = array<i32>} : memref<128xi32, #tpu.memory_space<vmem>>, vector<16xi32>,
      tpu.vector_store %arg10[%swap3A_123], %gather3A_122 {strides = array<i32>} : memref<128xi32, #tpu.memory_space<vmem>>, vector<16xi32>,
      %get3A_125 = arith.constant 0 : i32
      %get3A_126 = arith.index_cast %get3A_125 : i32 to index
      %get3A_127 = arith.constant 112 : index
      %get3A_128 = tpu.vector_load %arg9[%get3A_126, %get3A_127] {strides = array<i32>} : memref<2x128xi32, #tpu.memory_space<vmem>>, vector<16xi32>,
      %gather3A_129 = tpu.vector_load_idx %arg8[%get3A_128] : memref<10000xi32, #tpu.memory_space<vmem>>[vector<16xi32>], vector<16xi32>,
      %swap3A_130 = arith.constant 112 : index
      %swap3A_131 = tpu.vector_load %arg10[%swap3A_130] {strides = array<i32>} : memref<128xi32, #tpu.memory_space<vmem>>, vector<16xi32>,
      tpu.vector_store %arg10[%swap3A_130], %gather3A_129 {strides = array<i32>} : memref<128xi32, #tpu.memory_space<vmem>>, vector<16xi32>,
      %dma_start3A = arith.constant 0 : i32
      %dma_start3A_132 = arith.constant 0 : i32
      %dma_start3A_133 = tpu.memref_slice %arg2[%dma_start3A, %dma_start3A_132] : memref<100000x128xf32, #tpu.memory_space<hbm>> -> memref<100000x128xf32, #tpu.memory_space<hbm>>
      tpu.enqueue_indirect_dma source(%dma_start3A_133 : memref<100000x128xf32, #tpu.memory_space<hbm>>) target(%arg11 : memref<128x128xf32, #tpu.memory_space<vmem>>) offsets(%arg10 : memref<128xi32, #tpu.memory_space<vmem>>) semaphore(%arg12 : memref<!tpu.dma_semaphore, #tpu.memory_space<semaphore_mem>>)
      %dma_wait3A = arith.constant 0 : i32
      %dma_wait3A_134 = arith.constant 0 : i32
      %dma_wait3A_135 = tpu.memref_slice %arg2[%dma_wait3A, %dma_wait3A_134] : memref<100000x128xf32, #tpu.memory_space<hbm>> -> memref<100000x128xf32, #tpu.memory_space<hbm>>
      tpu.wait_indirect_dma semaphore(%arg12 : memref<!tpu.dma_semaphore, #tpu.memory_space<semaphore_mem>>) src(%dma_wait3A_135 : memref<100000x128xf32, #tpu.memory_space<hbm>>) dst(%arg11 : memref<128x128xf32, #tpu.memory_space<vmem>>)
      %run_scoped3A = arith.constant 1 : i32
      "tpu.region"() ({
        %run_scoped3A_136 = tpu.sem_alloc : memref<!tpu.dma_semaphore, #tpu.memory_space<semaphore_mem>>
        %dma_start3A_137 = arith.constant 0 : i32
        %dma_start3A_138 = tpu.memref_slice %arg9[%run_scoped3A, %dma_start3A_137] : memref<2x128xi32, #tpu.memory_space<vmem>> -> memref<1x128xi32, #tpu.memory_space<vmem>>
        %dma_start3A_139 = tpu.memref_squeeze %dma_start3A_138 : memref<1x128xi32, #tpu.memory_space<vmem>> -> memref<128xi32, #tpu.memory_space<vmem>>
        %dma_start3A_140 = arith.constant 0 : i32
        %dma_start3A_141 = arith.constant 0 : i32
        %dma_start3A_142 = tpu.memref_slice %arg7[%dma_start3A_140, %dma_start3A_141] : memref<10240x128xf32, #tpu.memory_space<vmem_shared>> -> memref<10240x128xf32, #tpu.memory_space<vmem_shared>>
        tpu.enqueue_indirect_dma source(%arg11 : memref<128x128xf32, #tpu.memory_space<vmem>>) target(%dma_start3A_142 : memref<10240x128xf32, #tpu.memory_space<vmem_shared>>) offsets(%dma_start3A_139 : memref<128xi32, #tpu.memory_space<vmem>>) semaphore(%run_scoped3A_136 : memref<!tpu.dma_semaphore, #tpu.memory_space<semaphore_mem>>) {add = true}
        %dma_wait3A_143 = arith.constant 0 : i32
        %dma_wait3A_144 = tpu.memref_slice %arg9[%run_scoped3A, %dma_wait3A_143] : memref<2x128xi32, #tpu.memory_space<vmem>> -> memref<1x128xi32, #tpu.memory_space<vmem>>
        %dma_wait3A_145 = tpu.memref_squeeze %dma_wait3A_144 : memref<1x128xi32, #tpu.memory_space<vmem>> -> memref<128xi32, #tpu.memory_space<vmem>>
        %dma_wait3A_146 = arith.constant 0 : i32
        %dma_wait3A_147 = arith.constant 0 : i32
        %dma_wait3A_148 = tpu.memref_slice %arg7[%dma_wait3A_146, %dma_wait3A_147] : memref<10240x128xf32, #tpu.memory_space<vmem_shared>> -> memref<10240x128xf32, #tpu.memory_space<vmem_shared>>
        tpu.wait_indirect_dma semaphore(%run_scoped3A_136 : memref<!tpu.dma_semaphore, #tpu.memory_space<semaphore_mem>>) src(%arg11 : memref<128x128xf32, #tpu.memory_space<vmem>>) dst(%dma_wait3A_148 : memref<10240x128xf32, #tpu.memory_space<vmem_shared>>)
        tpu.yield
      }) : () -> ()
    }
    %while3A_40 = arith.constant 1 : i32
    scf.for %while3A_72 = %while3A_38 to %while3A_34 step %while3A_40  : i32 {
      %mul3A_73 = arith.constant 16 : i32
      %mul3A_74 = arith.muli %while3A_72, %mul3A_73 : i32
      %add3A_75 = arith.addi %mul3A_74, %arg1 : i32
      %mul3A_76 = arith.constant 1250 : i32
      %mul3A_77 = arith.muli %arg0, %mul3A_76 : i32
      %add3A_78 = arith.addi %mul3A_77, %add3A_75 : i32
      "tpu.region"() ({
        %run_scoped3A_136 = tpu.sem_alloc : memref<!tpu.dma_semaphore, #tpu.memory_space<semaphore_mem>>
        %dma_start3A_137 = arith.constant 0 : i32
        %dma_start3A_138 = arith.constant 0 : i32
        %dma_start3A_139 = tpu.memref_slice %arg3[%add3A_78, %dma_start3A_137, %dma_start3A_138] : memref<2500x2x128xi32, #tpu.memory_space<hbm>> -> memref<1x2x128xi32, #tpu.memory_space<hbm>>
        %dma_start3A_140 = tpu.memref_squeeze %dma_start3A_139 : memref<1x2x128xi32, #tpu.memory_space<hbm>> -> memref<2x128xi32, #tpu.memory_space<hbm>>
        %dma_start3A_141 = arith.constant 0 : i32
        %dma_start3A_142 = arith.constant 0 : i32
        %dma_start3A_143 = tpu.memref_slice %arg3[%add3A_78, %dma_start3A_141, %dma_start3A_142] : memref<2500x2x128xi32, #tpu.memory_space<hbm>> -> memref<1x2x128xi32, #tpu.memory_space<hbm>>
        %dma_start3A_144 = tpu.memref_squeeze %dma_start3A_143 : memref<1x2x128xi32, #tpu.memory_space<hbm>> -> memref<2x128xi32, #tpu.memory_space<hbm>>
        tpu.enqueue_dma source(%dma_start3A_144 : memref<2x128xi32, #tpu.memory_space<hbm>>) target(%arg9 : memref<2x128xi32, #tpu.memory_space<vmem>>) target_semaphore(%run_scoped3A_136 : memref<!tpu.dma_semaphore, #tpu.memory_space<semaphore_mem>>)
        %dma_wait3A_145 = arith.constant 0 : i32
        %dma_wait3A_146 = arith.constant 0 : i32
        %dma_wait3A_147 = tpu.memref_slice %arg3[%add3A_78, %dma_wait3A_145, %dma_wait3A_146] : memref<2500x2x128xi32, #tpu.memory_space<hbm>> -> memref<1x2x128xi32, #tpu.memory_space<hbm>>
        %dma_wait3A_148 = tpu.memref_squeeze %dma_wait3A_147 : memref<1x2x128xi32, #tpu.memory_space<hbm>> -> memref<2x128xi32, #tpu.memory_space<hbm>>
        %dma_wait3A_149 = arith.constant 0 : i32
        %dma_wait3A_150 = arith.constant 0 : i32
        %dma_wait3A_151 = tpu.memref_slice %arg3[%add3A_78, %dma_wait3A_149, %dma_wait3A_150] : memref<2500x2x128xi32, #tpu.memory_space<hbm>> -> memref<1x2x128xi32, #tpu.memory_space<hbm>>
        %dma_wait3A_152 = tpu.memref_squeeze %dma_wait3A_151 : memref<1x2x128xi32, #tpu.memory_space<hbm>> -> memref<2x128xi32, #tpu.memory_space<hbm>>
        tpu.wait_dma2 semaphore(%run_scoped3A_136 : memref<!tpu.dma_semaphore, #tpu.memory_space<semaphore_mem>>) src(%dma_wait3A_152 : memref<2x128xi32, #tpu.memory_space<hbm>>) dst(%arg9 : memref<2x128xi32, #tpu.memory_space<vmem>>)
        tpu.yield
      }) : () -> ()
      %get3A = arith.constant 0 : i32
      %get3A_79 = arith.index_cast %get3A : i32 to index
      %get3A_80 = arith.constant 0 : index
      %get3A_81 = tpu.vector_load %arg9[%get3A_79, %get3A_80] {strides = array<i32>} : memref<2x128xi32, #tpu.memory_space<vmem>>, vector<16xi32>,
      %gather3A = tpu.vector_load_idx %arg8[%get3A_81] : memref<10000xi32, #tpu.memory_space<vmem>>[vector<16xi32>], vector<16xi32>,
      %swap3A = arith.constant 0 : index
      %swap3A_82 = tpu.vector_load %arg10[%swap3A] {strides = array<i32>} : memref<128xi32, #tpu.memory_space<vmem>>, vector<16xi32>,
      tpu.vector_store %arg10[%swap3A], %gather3A {strides = array<i32>} : memref<128xi32, #tpu.memory_space<vmem>>, vector<16xi32>,
      %get3A_83 = arith.constant 0 : i32
      %get3A_84 = arith.index_cast %get3A_83 : i32 to index
      %get3A_85 = arith.constant 16 : index
      %get3A_86 = tpu.vector_load %arg9[%get3A_84, %get3A_85] {strides = array<i32>} : memref<2x128xi32, #tpu.memory_space<vmem>>, vector<16xi32>,
      %gather3A_87 = tpu.vector_load_idx %arg8[%get3A_86] : memref<10000xi32, #tpu.memory_space<vmem>>[vector<16xi32>], vector<16xi32>,
      %swap3A_88 = arith.constant 16 : index
      %swap3A_89 = tpu.vector_load %arg10[%swap3A_88] {strides = array<i32>} : memref<128xi32, #tpu.memory_space<vmem>>, vector<16xi32>,
      tpu.vector_store %arg10[%swap3A_88], %gather3A_87 {strides = array<i32>} : memref<128xi32, #tpu.memory_space<vmem>>, vector<16xi32>,
      %get3A_90 = arith.constant 0 : i32
      %get3A_91 = arith.index_cast %get3A_90 : i32 to index
      %get3A_92 = arith.constant 32 : index
      %get3A_93 = tpu.vector_load %arg9[%get3A_91, %get3A_92] {strides = array<i32>} : memref<2x128xi32, #tpu.memory_space<vmem>>, vector<16xi32>,
      %gather3A_94 = tpu.vector_load_idx %arg8[%get3A_93] : memref<10000xi32, #tpu.memory_space<vmem>>[vector<16xi32>], vector<16xi32>,
      %swap3A_95 = arith.constant 32 : index
      %swap3A_96 = tpu.vector_load %arg10[%swap3A_95] {strides = array<i32>} : memref<128xi32, #tpu.memory_space<vmem>>, vector<16xi32>,
      tpu.vector_store %arg10[%swap3A_95], %gather3A_94 {strides = array<i32>} : memref<128xi32, #tpu.memory_space<vmem>>, vector<16xi32>,
      %get3A_97 = arith.constant 0 : i32
      %get3A_98 = arith.index_cast %get3A_97 : i32 to index
      %get3A_99 = arith.constant 48 : index
      %get3A_100 = tpu.vector_load %arg9[%get3A_98, %get3A_99] {strides = array<i32>} : memref<2x128xi32, #tpu.memory_space<vmem>>, vector<16xi32>,
      %gather3A_101 = tpu.vector_load_idx %arg8[%get3A_100] : memref<10000xi32, #tpu.memory_space<vmem>>[vector<16xi32>], vector<16xi32>,
      %swap3A_102 = arith.constant 48 : index
      %swap3A_103 = tpu.vector_load %arg10[%swap3A_102] {strides = array<i32>} : memref<128xi32, #tpu.memory_space<vmem>>, vector<16xi32>,
      tpu.vector_store %arg10[%swap3A_102], %gather3A_101 {strides = array<i32>} : memref<128xi32, #tpu.memory_space<vmem>>, vector<16xi32>,
      %get3A_104 = arith.constant 0 : i32
      %get3A_105 = arith.index_cast %get3A_104 : i32 to index
      %get3A_106 = arith.constant 64 : index
      %get3A_107 = tpu.vector_load %arg9[%get3A_105, %get3A_106] {strides = array<i32>} : memref<2x128xi32, #tpu.memory_space<vmem>>, vector<16xi32>,
      %gather3A_108 = tpu.vector_load_idx %arg8[%get3A_107] : memref<10000xi32, #tpu.memory_space<vmem>>[vector<16xi32>], vector<16xi32>,
      %swap3A_109 = arith.constant 64 : index
      %swap3A_110 = tpu.vector_load %arg10[%swap3A_109] {strides = array<i32>} : memref<128xi32, #tpu.memory_space<vmem>>, vector<16xi32>,
      tpu.vector_store %arg10[%swap3A_109], %gather3A_108 {strides = array<i32>} : memref<128xi32, #tpu.memory_space<vmem>>, vector<16xi32>,
      %get3A_111 = arith.constant 0 : i32
      %get3A_112 = arith.index_cast %get3A_111 : i32 to index
      %get3A_113 = arith.constant 80 : index
      %get3A_114 = tpu.vector_load %arg9[%get3A_112, %get3A_113] {strides = array<i32>} : memref<2x128xi32, #tpu.memory_space<vmem>>, vector<16xi32>,
      %gather3A_115 = tpu.vector_load_idx %arg8[%get3A_114] : memref<10000xi32, #tpu.memory_space<vmem>>[vector<16xi32>], vector<16xi32>,
      %swap3A_116 = arith.constant 80 : index
      %swap3A_117 = tpu.vector_load %arg10[%swap3A_116] {strides = array<i32>} : memref<128xi32, #tpu.memory_space<vmem>>, vector<16xi32>,
      tpu.vector_store %arg10[%swap3A_116], %gather3A_115 {strides = array<i32>} : memref<128xi32, #tpu.memory_space<vmem>>, vector<16xi32>,
      %get3A_118 = arith.constant 0 : i32
      %get3A_119 = arith.index_cast %get3A_118 : i32 to index
      %get3A_120 = arith.constant 96 : index
      %get3A_121 = tpu.vector_load %arg9[%get3A_119, %get3A_120] {strides = array<i32>} : memref<2x128xi32, #tpu.memory_space<vmem>>, vector<16xi32>,
      %gather3A_122 = tpu.vector_load_idx %arg8[%get3A_121] : memref<10000xi32, #tpu.memory_space<vmem>>[vector<16xi32>], vector<16xi32>,
      %swap3A_123 = arith.constant 96 : index
      %swap3A_124 = tpu.vector_load %arg10[%swap3A_123] {strides = array<i32>} : memref<128xi32, #tpu.memory_space<vmem>>, vector<16xi32>,
      tpu.vector_store %arg10[%swap3A_123], %gather3A_122 {strides = array<i32>} : memref<128xi32, #tpu.memory_space<vmem>>, vector<16xi32>,
      %get3A_125 = arith.constant 0 : i32
      %get3A_126 = arith.index_cast %get3A_125 : i32 to index
      %get3A_127 = arith.constant 112 : index
      %get3A_128 = tpu.vector_load %arg9[%get3A_126, %get3A_127] {strides = array<i32>} : memref<2x128xi32, #tpu.memory_space<vmem>>, vector<16xi32>,
      %gather3A_129 = tpu.vector_load_idx %arg8[%get3A_128] : memref<10000xi32, #tpu.memory_space<vmem>>[vector<16xi32>], vector<16xi32>,
      %swap3A_130 = arith.constant 112 : index
      %swap3A_131 = tpu.vector_load %arg10[%swap3A_130] {strides = array<i32>} : memref<128xi32, #tpu.memory_space<vmem>>, vector<16xi32>,
      tpu.vector_store %arg10[%swap3A_130], %gather3A_129 {strides = array<i32>} : memref<128xi32, #tpu.memory_space<vmem>>, vector<16xi32>,
      %dma_start3A = arith.constant 0 : i32
      %dma_start3A_132 = arith.constant 0 : i32
      %dma_start3A_133 = tpu.memref_slice %arg2[%dma_start3A, %dma_start3A_132] : memref<100000x128xf32, #tpu.memory_space<hbm>> -> memref<100000x128xf32, #tpu.memory_space<hbm>>
      tpu.enqueue_indirect_dma source(%dma_start3A_133 : memref<100000x128xf32, #tpu.memory_space<hbm>>) target(%arg11 : memref<128x128xf32, #tpu.memory_space<vmem>>) offsets(%arg10 : memref<128xi32, #tpu.memory_space<vmem>>) semaphore(%arg12 : memref<!tpu.dma_semaphore, #tpu.memory_space<semaphore_mem>>)
      %dma_wait3A = arith.constant 0 : i32
      %dma_wait3A_134 = arith.constant 0 : i32
      %dma_wait3A_135 = tpu.memref_slice %arg2[%dma_wait3A, %dma_wait3A_134] : memref<100000x128xf32, #tpu.memory_space<hbm>> -> memref<100000x128xf32, #tpu.memory_space<hbm>>
      tpu.wait_indirect_dma semaphore(%arg12 : memref<!tpu.dma_semaphore, #tpu.memory_space<semaphore_mem>>) src(%dma_wait3A_135 : memref<100000x128xf32, #tpu.memory_space<hbm>>) dst(%arg11 : memref<128x128xf32, #tpu.memory_space<vmem>>)
      %run_scoped3A = arith.constant 1 : i32
      "tpu.region"() ({
        %run_scoped3A_136 = tpu.sem_alloc : memref<!tpu.dma_semaphore, #tpu.memory_space<semaphore_mem>>
        %dma_start3A_137 = arith.constant 0 : i32
        %dma_start3A_138 = tpu.memref_slice %arg9[%run_scoped3A, %dma_start3A_137] : memref<2x128xi32, #tpu.memory_space<vmem>> -> memref<1x128xi32, #tpu.memory_space<vmem>>
        %dma_start3A_139 = tpu.memref_squeeze %dma_start3A_138 : memref<1x128xi32, #tpu.memory_space<vmem>> -> memref<128xi32, #tpu.memory_space<vmem>>
        %dma_start3A_140 = arith.constant 0 : i32
        %dma_start3A_141 = arith.constant 0 : i32
        %dma_start3A_142 = tpu.memref_slice %arg7[%dma_start3A_140, %dma_start3A_141] : memref<10240x128xf32, #tpu.memory_space<vmem_shared>> -> memref<10240x128xf32, #tpu.memory_space<vmem_shared>>
        tpu.enqueue_indirect_dma source(%arg11 : memref<128x128xf32, #tpu.memory_space<vmem>>) target(%dma_start3A_142 : memref<10240x128xf32, #tpu.memory_space<vmem_shared>>) offsets(%dma_start3A_139 : memref<128xi32, #tpu.memory_space<vmem>>) semaphore(%run_scoped3A_136 : memref<!tpu.dma_semaphore, #tpu.memory_space<semaphore_mem>>) {add = true}
        %dma_wait3A_143 = arith.constant 0 : i32
        %dma_wait3A_144 = tpu.memref_slice %arg9[%run_scoped3A, %dma_wait3A_143] : memref<2x128xi32, #tpu.memory_space<vmem>> -> memref<1x128xi32, #tpu.memory_space<vmem>>
        %dma_wait3A_145 = tpu.memref_squeeze %dma_wait3A_144 : memref<1x128xi32, #tpu.memory_space<vmem>> -> memref<128xi32, #tpu.memory_space<vmem>>
        %dma_wait3A_146 = arith.constant 0 : i32
        %dma_wait3A_147 = arith.constant 0 : i32
        %dma_wait3A_148 = tpu.memref_slice %arg7[%dma_wait3A_146, %dma_wait3A_147] : memref<10240x128xf32, #tpu.memory_space<vmem_shared>> -> memref<10240x128xf32, #tpu.memory_space<vmem_shared>>
        tpu.wait_indirect_dma semaphore(%run_scoped3A_136 : memref<!tpu.dma_semaphore, #tpu.memory_space<semaphore_mem>>) src(%arg11 : memref<128x128xf32, #tpu.memory_space<vmem>>) dst(%dma_wait3A_148 : memref<10240x128xf32, #tpu.memory_space<vmem_shared>>)
        tpu.yield
      }) : () -> ()
    }
    %barrier3A_41 = arith.constant 0 : index
    tpu.barrier barrier_id(%barrier3A_41)
    %mul3A_42 = arith.constant 5 : i32
    %mul3A_43 = arith.muli %arg1, %mul3A_42 : i32
    %add3A_44 = arith.constant 0 : i32
    %add3A_45 = arith.addi %mul3A_43, %add3A_44 : i32
    %mul3A_46 = arith.constant 128 : i32
    %mul3A_47 = arith.muli %add3A_45, %mul3A_46 : i32
    "tpu.region"() ({
      %run_scoped3A = tpu.sem_alloc : memref<!tpu.dma_semaphore, #tpu.memory_space<semaphore_mem>>
      %dma_start3A = arith.constant 0 : i32
      %dma_start3A_72 = tpu.memref_slice %arg6[%arg0, %mul3A_47, %dma_start3A] : memref<2x10240x128xf32, #tpu.memory_space<hbm>> -> memref<1x128x128xf32, #tpu.memory_space<hbm>>
      %dma_start3A_73 = tpu.memref_squeeze %dma_start3A_72 : memref<1x128x128xf32, #tpu.memory_space<hbm>> -> memref<128x128xf32, #tpu.memory_space<hbm>>
      %dma_start3A_74 = arith.constant 0 : i32
      %dma_start3A_75 = tpu.memref_slice %arg7[%mul3A_47, %dma_start3A_74] : memref<10240x128xf32, #tpu.memory_space<vmem_shared>> -> memref<128x128xf32, #tpu.memory_space<vmem_shared>>
      tpu.enqueue_dma source(%dma_start3A_75 : memref<128x128xf32, #tpu.memory_space<vmem_shared>>) target(%dma_start3A_73 : memref<128x128xf32, #tpu.memory_space<hbm>>) target_semaphore(%run_scoped3A : memref<!tpu.dma_semaphore, #tpu.memory_space<semaphore_mem>>)
      %dma_wait3A = arith.constant 0 : i32
      %dma_wait3A_76 = tpu.memref_slice %arg6[%arg0, %mul3A_47, %dma_wait3A] : memref<2x10240x128xf32, #tpu.memory_space<hbm>> -> memref<1x128x128xf32, #tpu.memory_space<hbm>>
      %dma_wait3A_77 = tpu.memref_squeeze %dma_wait3A_76 : memref<1x128x128xf32, #tpu.memory_space<hbm>> -> memref<128x128xf32, #tpu.memory_space<hbm>>
      %dma_wait3A_78 = arith.constant 0 : i32
      %dma_wait3A_79 = tpu.memref_slice %arg7[%mul3A_47, %dma_wait3A_78] : memref<10240x128xf32, #tpu.memory_space<vmem_shared>> -> memref<128x128xf32, #tpu.memory_space<vmem_shared>>
      tpu.wait_dma2 semaphore(%run_scoped3A : memref<!tpu.dma_semaphore, #tpu.memory_space<semaphore_mem>>) src(%dma_wait3A_79 : memref<128x128xf32, #tpu.memory_space<vmem_shared>>) dst(%dma_wait3A_77 : memref<128x128xf32, #tpu.memory_space<hbm>>)
      tpu.yield
    }) : () -> ()
    %mul3A_48 = arith.constant 5 : i32
    %mul3A_49 = arith.muli %arg1, %mul3A_48 : i32
    %add3A_50 = arith.constant 1 : i32
    %add3A_51 = arith.addi %mul3A_49, %add3A_50 : i32
    %mul3A_52 = arith.constant 128 : i32
    %mul3A_53 = arith.muli %add3A_51, %mul3A_52 : i32
    "tpu.region"() ({
      %run_scoped3A = tpu.sem_alloc : memref<!tpu.dma_semaphore, #tpu.memory_space<semaphore_mem>>
      %dma_start3A = arith.constant 0 : i32
      %dma_start3A_72 = tpu.memref_slice %arg6[%arg0, %mul3A_53, %dma_start3A] : memref<2x10240x128xf32, #tpu.memory_space<hbm>> -> memref<1x128x128xf32, #tpu.memory_space<hbm>>
      %dma_start3A_73 = tpu.memref_squeeze %dma_start3A_72 : memref<1x128x128xf32, #tpu.memory_space<hbm>> -> memref<128x128xf32, #tpu.memory_space<hbm>>
      %dma_start3A_74 = arith.constant 0 : i32
      %dma_start3A_75 = tpu.memref_slice %arg7[%mul3A_53, %dma_start3A_74] : memref<10240x128xf32, #tpu.memory_space<vmem_shared>> -> memref<128x128xf32, #tpu.memory_space<vmem_shared>>
      tpu.enqueue_dma source(%dma_start3A_75 : memref<128x128xf32, #tpu.memory_space<vmem_shared>>) target(%dma_start3A_73 : memref<128x128xf32, #tpu.memory_space<hbm>>) target_semaphore(%run_scoped3A : memref<!tpu.dma_semaphore, #tpu.memory_space<semaphore_mem>>)
      %dma_wait3A = arith.constant 0 : i32
      %dma_wait3A_76 = tpu.memref_slice %arg6[%arg0, %mul3A_53, %dma_wait3A] : memref<2x10240x128xf32, #tpu.memory_space<hbm>> -> memref<1x128x128xf32, #tpu.memory_space<hbm>>
      %dma_wait3A_77 = tpu.memref_squeeze %dma_wait3A_76 : memref<1x128x128xf32, #tpu.memory_space<hbm>> -> memref<128x128xf32, #tpu.memory_space<hbm>>
      %dma_wait3A_78 = arith.constant 0 : i32
      %dma_wait3A_79 = tpu.memref_slice %arg7[%mul3A_53, %dma_wait3A_78] : memref<10240x128xf32, #tpu.memory_space<vmem_shared>> -> memref<128x128xf32, #tpu.memory_space<vmem_shared>>
      tpu.wait_dma2 semaphore(%run_scoped3A : memref<!tpu.dma_semaphore, #tpu.memory_space<semaphore_mem>>) src(%dma_wait3A_79 : memref<128x128xf32, #tpu.memory_space<vmem_shared>>) dst(%dma_wait3A_77 : memref<128x128xf32, #tpu.memory_space<hbm>>)
      tpu.yield
    }) : () -> ()
    %mul3A_54 = arith.constant 5 : i32
    %mul3A_55 = arith.muli %arg1, %mul3A_54 : i32
    %add3A_56 = arith.constant 2 : i32
    %add3A_57 = arith.addi %mul3A_55, %add3A_56 : i32
    %mul3A_58 = arith.constant 128 : i32
    %mul3A_59 = arith.muli %add3A_57, %mul3A_58 : i32
    "tpu.region"() ({
      %run_scoped3A = tpu.sem_alloc : memref<!tpu.dma_semaphore, #tpu.memory_space<semaphore_mem>>
      %dma_start3A = arith.constant 0 : i32
      %dma_start3A_72 = tpu.memref_slice %arg6[%arg0, %mul3A_59, %dma_start3A] : memref<2x10240x128xf32, #tpu.memory_space<hbm>> -> memref<1x128x128xf32, #tpu.memory_space<hbm>>
      %dma_start3A_73 = tpu.memref_squeeze %dma_start3A_72 : memref<1x128x128xf32, #tpu.memory_space<hbm>> -> memref<128x128xf32, #tpu.memory_space<hbm>>
      %dma_start3A_74 = arith.constant 0 : i32
      %dma_start3A_75 = tpu.memref_slice %arg7[%mul3A_59, %dma_start3A_74] : memref<10240x128xf32, #tpu.memory_space<vmem_shared>> -> memref<128x128xf32, #tpu.memory_space<vmem_shared>>
      tpu.enqueue_dma source(%dma_start3A_75 : memref<128x128xf32, #tpu.memory_space<vmem_shared>>) target(%dma_start3A_73 : memref<128x128xf32, #tpu.memory_space<hbm>>) target_semaphore(%run_scoped3A : memref<!tpu.dma_semaphore, #tpu.memory_space<semaphore_mem>>)
      %dma_wait3A = arith.constant 0 : i32
      %dma_wait3A_76 = tpu.memref_slice %arg6[%arg0, %mul3A_59, %dma_wait3A] : memref<2x10240x128xf32, #tpu.memory_space<hbm>> -> memref<1x128x128xf32, #tpu.memory_space<hbm>>
      %dma_wait3A_77 = tpu.memref_squeeze %dma_wait3A_76 : memref<1x128x128xf32, #tpu.memory_space<hbm>> -> memref<128x128xf32, #tpu.memory_space<hbm>>
      %dma_wait3A_78 = arith.constant 0 : i32
      %dma_wait3A_79 = tpu.memref_slice %arg7[%mul3A_59, %dma_wait3A_78] : memref<10240x128xf32, #tpu.memory_space<vmem_shared>> -> memref<128x128xf32, #tpu.memory_space<vmem_shared>>
      tpu.wait_dma2 semaphore(%run_scoped3A : memref<!tpu.dma_semaphore, #tpu.memory_space<semaphore_mem>>) src(%dma_wait3A_79 : memref<128x128xf32, #tpu.memory_space<vmem_shared>>) dst(%dma_wait3A_77 : memref<128x128xf32, #tpu.memory_space<hbm>>)
      tpu.yield
    }) : () -> ()
    %mul3A_60 = arith.constant 5 : i32
    %mul3A_61 = arith.muli %arg1, %mul3A_60 : i32
    %add3A_62 = arith.constant 3 : i32
    %add3A_63 = arith.addi %mul3A_61, %add3A_62 : i32
    %mul3A_64 = arith.constant 128 : i32
    %mul3A_65 = arith.muli %add3A_63, %mul3A_64 : i32
    "tpu.region"() ({
      %run_scoped3A = tpu.sem_alloc : memref<!tpu.dma_semaphore, #tpu.memory_space<semaphore_mem>>
      %dma_start3A = arith.constant 0 : i32
      %dma_start3A_72 = tpu.memref_slice %arg6[%arg0, %mul3A_65, %dma_start3A] : memref<2x10240x128xf32, #tpu.memory_space<hbm>> -> memref<1x128x128xf32, #tpu.memory_space<hbm>>
      %dma_start3A_73 = tpu.memref_squeeze %dma_start3A_72 : memref<1x128x128xf32, #tpu.memory_space<hbm>> -> memref<128x128xf32, #tpu.memory_space<hbm>>
      %dma_start3A_74 = arith.constant 0 : i32
      %dma_start3A_75 = tpu.memref_slice %arg7[%mul3A_65, %dma_start3A_74] : memref<10240x128xf32, #tpu.memory_space<vmem_shared>> -> memref<128x128xf32, #tpu.memory_space<vmem_shared>>
      tpu.enqueue_dma source(%dma_start3A_75 : memref<128x128xf32, #tpu.memory_space<vmem_shared>>) target(%dma_start3A_73 : memref<128x128xf32, #tpu.memory_space<hbm>>) target_semaphore(%run_scoped3A : memref<!tpu.dma_semaphore, #tpu.memory_space<semaphore_mem>>)
      %dma_wait3A = arith.constant 0 : i32
      %dma_wait3A_76 = tpu.memref_slice %arg6[%arg0, %mul3A_65, %dma_wait3A] : memref<2x10240x128xf32, #tpu.memory_space<hbm>> -> memref<1x128x128xf32, #tpu.memory_space<hbm>>
      %dma_wait3A_77 = tpu.memref_squeeze %dma_wait3A_76 : memref<1x128x128xf32, #tpu.memory_space<hbm>> -> memref<128x128xf32, #tpu.memory_space<hbm>>
      %dma_wait3A_78 = arith.constant 0 : i32
      %dma_wait3A_79 = tpu.memref_slice %arg7[%mul3A_65, %dma_wait3A_78] : memref<10240x128xf32, #tpu.memory_space<vmem_shared>> -> memref<128x128xf32, #tpu.memory_space<vmem_shared>>
      tpu.wait_dma2 semaphore(%run_scoped3A : memref<!tpu.dma_semaphore, #tpu.memory_space<semaphore_mem>>) src(%dma_wait3A_79 : memref<128x128xf32, #tpu.memory_space<vmem_shared>>) dst(%dma_wait3A_77 : memref<128x128xf32, #tpu.memory_space<hbm>>)
      tpu.yield
    }) : () -> ()
    %mul3A_66 = arith.constant 5 : i32
    %mul3A_67 = arith.muli %arg1, %mul3A_66 : i32
    %add3A_68 = arith.constant 4 : i32
    %add3A_69 = arith.addi %mul3A_67, %add3A_68 : i32
    %mul3A_70 = arith.constant 128 : i32
    %mul3A_71 = arith.muli %add3A_69, %mul3A_70 : i32
    "tpu.region"() ({
      %run_scoped3A = tpu.sem_alloc : memref<!tpu.dma_semaphore, #tpu.memory_space<semaphore_mem>>
      %dma_start3A = arith.constant 0 : i32
      %dma_start3A_72 = tpu.memref_slice %arg6[%arg0, %mul3A_71, %dma_start3A] : memref<2x10240x128xf32, #tpu.memory_space<hbm>> -> memref<1x128x128xf32, #tpu.memory_space<hbm>>
      %dma_start3A_73 = tpu.memref_squeeze %dma_start3A_72 : memref<1x128x128xf32, #tpu.memory_space<hbm>> -> memref<128x128xf32, #tpu.memory_space<hbm>>
      %dma_start3A_74 = arith.constant 0 : i32
      %dma_start3A_75 = tpu.memref_slice %arg7[%mul3A_71, %dma_start3A_74] : memref<10240x128xf32, #tpu.memory_space<vmem_shared>> -> memref<128x128xf32, #tpu.memory_space<vmem_shared>>
      tpu.enqueue_dma source(%dma_start3A_75 : memref<128x128xf32, #tpu.memory_space<vmem_shared>>) target(%dma_start3A_73 : memref<128x128xf32, #tpu.memory_space<hbm>>) target_semaphore(%run_scoped3A : memref<!tpu.dma_semaphore, #tpu.memory_space<semaphore_mem>>)
      %dma_wait3A = arith.constant 0 : i32
      %dma_wait3A_76 = tpu.memref_slice %arg6[%arg0, %mul3A_71, %dma_wait3A] : memref<2x10240x128xf32, #tpu.memory_space<hbm>> -> memref<1x128x128xf32, #tpu.memory_space<hbm>>
      %dma_wait3A_77 = tpu.memref_squeeze %dma_wait3A_76 : memref<1x128x128xf32, #tpu.memory_space<hbm>> -> memref<128x128xf32, #tpu.memory_space<hbm>>
      %dma_wait3A_78 = arith.constant 0 : i32
      %dma_wait3A_79 = tpu.memref_slice %arg7[%mul3A_71, %dma_wait3A_78] : memref<10240x128xf32, #tpu.memory_space<vmem_shared>> -> memref<128x128xf32, #tpu.memory_space<vmem_shared>>
      tpu.wait_dma2 semaphore(%run_scoped3A : memref<!tpu.dma_semaphore, #tpu.memory_space<semaphore_mem>>) src(%dma_wait3A_79 : memref<128x128xf32, #tpu.memory_space<vmem_shared>>) dst(%dma_wait3A_77 : memref<128x128xf32, #tpu.memory_space<hbm>>)
      tpu.yield
    }) : () -> ()
    return
  }
}

#map = affine_map<(d0, d1) -> (0, 0)>
#map1 = affine_map<(d0, d1) -> (0, 0, 0)>
module attributes {stable_mosaic.version = 14 : i64} {
  func.func @edge_agg(%arg0: i32, %arg1: i32, %arg2: memref<10000x128xf32, #tpu.memory_space<hbm>>, %arg3: memref<2500x2x128xi32, #tpu.memory_space<hbm>>, %arg4: memref<128x128xf32, #tpu.memory_space<hbm>>, %arg5: memref<2x10240x128xf32, #tpu.memory_space<hbm>>, %arg6: memref<10240x128xf32, #tpu.memory_space<vmem_shared>>, %arg7: memref<2x128xi32, #tpu.memory_space<vmem>>, %arg8: memref<128xi32, #tpu.memory_space<vmem>>, %arg9: memref<128x128xf32, #tpu.memory_space<vmem>>, %arg10: memref<!tpu.dma_semaphore, #tpu.memory_space<semaphore_mem>>) attributes {dimension_semantics = [#tpu.dimension_semantics<core_parallel>, #tpu.dimension_semantics<subcore_parallel>], iteration_bounds = array<i64: 2, 16>, scalar_prefetch = 0 : i64, scratch_operands = 5 : i64, tpu.core_type = #tpu.core_type<sc_vector_subcore>, window_params = [{transform_indices = #map}, {transform_indices = #map1}, {transform_indices = #map}, {transform_indices = #map1}]} {
    %mul3A = arith.constant 5 : i32
    %mul3A_0 = arith.muli %arg1, %mul3A : i32
    %add3A = arith.constant 0 : i32
    %add3A_1 = arith.addi %mul3A_0, %add3A : i32
    %mul3A_2 = arith.constant 128 : i32
    %mul3A_3 = arith.muli %add3A_1, %mul3A_2 : i32
    "tpu.region"() ({
      %run_scoped3A = tpu.sem_alloc : memref<!tpu.dma_semaphore, #tpu.memory_space<semaphore_mem>>
      %dma_start3A = arith.constant 0 : i32
      %dma_start3A_72 = tpu.memref_slice %arg6[%mul3A_3, %dma_start3A] : memref<10240x128xf32, #tpu.memory_space<vmem_shared>> -> memref<128x128xf32, #tpu.memory_space<vmem_shared>>
      tpu.enqueue_dma source(%arg4 : memref<128x128xf32, #tpu.memory_space<hbm>>) target(%dma_start3A_72 : memref<128x128xf32, #tpu.memory_space<vmem_shared>>) target_semaphore(%run_scoped3A : memref<!tpu.dma_semaphore, #tpu.memory_space<semaphore_mem>>)
      %dma_wait3A = arith.constant 0 : i32
      %dma_wait3A_73 = tpu.memref_slice %arg6[%mul3A_3, %dma_wait3A] : memref<10240x128xf32, #tpu.memory_space<vmem_shared>> -> memref<128x128xf32, #tpu.memory_space<vmem_shared>>
      tpu.wait_dma2 semaphore(%run_scoped3A : memref<!tpu.dma_semaphore, #tpu.memory_space<semaphore_mem>>) src(%arg4 : memref<128x128xf32, #tpu.memory_space<hbm>>) dst(%dma_wait3A_73 : memref<128x128xf32, #tpu.memory_space<vmem_shared>>)
      tpu.yield
    }) : () -> ()
    %mul3A_4 = arith.constant 5 : i32
    %mul3A_5 = arith.muli %arg1, %mul3A_4 : i32
    %add3A_6 = arith.constant 1 : i32
    %add3A_7 = arith.addi %mul3A_5, %add3A_6 : i32
    %mul3A_8 = arith.constant 128 : i32
    %mul3A_9 = arith.muli %add3A_7, %mul3A_8 : i32
    "tpu.region"() ({
      %run_scoped3A = tpu.sem_alloc : memref<!tpu.dma_semaphore, #tpu.memory_space<semaphore_mem>>
      %dma_start3A = arith.constant 0 : i32
      %dma_start3A_72 = tpu.memref_slice %arg6[%mul3A_9, %dma_start3A] : memref<10240x128xf32, #tpu.memory_space<vmem_shared>> -> memref<128x128xf32, #tpu.memory_space<vmem_shared>>
      tpu.enqueue_dma source(%arg4 : memref<128x128xf32, #tpu.memory_space<hbm>>) target(%dma_start3A_72 : memref<128x128xf32, #tpu.memory_space<vmem_shared>>) target_semaphore(%run_scoped3A : memref<!tpu.dma_semaphore, #tpu.memory_space<semaphore_mem>>)
      %dma_wait3A = arith.constant 0 : i32
      %dma_wait3A_73 = tpu.memref_slice %arg6[%mul3A_9, %dma_wait3A] : memref<10240x128xf32, #tpu.memory_space<vmem_shared>> -> memref<128x128xf32, #tpu.memory_space<vmem_shared>>
      tpu.wait_dma2 semaphore(%run_scoped3A : memref<!tpu.dma_semaphore, #tpu.memory_space<semaphore_mem>>) src(%arg4 : memref<128x128xf32, #tpu.memory_space<hbm>>) dst(%dma_wait3A_73 : memref<128x128xf32, #tpu.memory_space<vmem_shared>>)
      tpu.yield
    }) : () -> ()
    %mul3A_10 = arith.constant 5 : i32
    %mul3A_11 = arith.muli %arg1, %mul3A_10 : i32
    %add3A_12 = arith.constant 2 : i32
    %add3A_13 = arith.addi %mul3A_11, %add3A_12 : i32
    %mul3A_14 = arith.constant 128 : i32
    %mul3A_15 = arith.muli %add3A_13, %mul3A_14 : i32
    "tpu.region"() ({
      %run_scoped3A = tpu.sem_alloc : memref<!tpu.dma_semaphore, #tpu.memory_space<semaphore_mem>>
      %dma_start3A = arith.constant 0 : i32
      %dma_start3A_72 = tpu.memref_slice %arg6[%mul3A_15, %dma_start3A] : memref<10240x128xf32, #tpu.memory_space<vmem_shared>> -> memref<128x128xf32, #tpu.memory_space<vmem_shared>>
      tpu.enqueue_dma source(%arg4 : memref<128x128xf32, #tpu.memory_space<hbm>>) target(%dma_start3A_72 : memref<128x128xf32, #tpu.memory_space<vmem_shared>>) target_semaphore(%run_scoped3A : memref<!tpu.dma_semaphore, #tpu.memory_space<semaphore_mem>>)
      %dma_wait3A = arith.constant 0 : i32
      %dma_wait3A_73 = tpu.memref_slice %arg6[%mul3A_15, %dma_wait3A] : memref<10240x128xf32, #tpu.memory_space<vmem_shared>> -> memref<128x128xf32, #tpu.memory_space<vmem_shared>>
      tpu.wait_dma2 semaphore(%run_scoped3A : memref<!tpu.dma_semaphore, #tpu.memory_space<semaphore_mem>>) src(%arg4 : memref<128x128xf32, #tpu.memory_space<hbm>>) dst(%dma_wait3A_73 : memref<128x128xf32, #tpu.memory_space<vmem_shared>>)
      tpu.yield
    }) : () -> ()
    %mul3A_16 = arith.constant 5 : i32
    %mul3A_17 = arith.muli %arg1, %mul3A_16 : i32
    %add3A_18 = arith.constant 3 : i32
    %add3A_19 = arith.addi %mul3A_17, %add3A_18 : i32
    %mul3A_20 = arith.constant 128 : i32
    %mul3A_21 = arith.muli %add3A_19, %mul3A_20 : i32
    "tpu.region"() ({
      %run_scoped3A = tpu.sem_alloc : memref<!tpu.dma_semaphore, #tpu.memory_space<semaphore_mem>>
      %dma_start3A = arith.constant 0 : i32
      %dma_start3A_72 = tpu.memref_slice %arg6[%mul3A_21, %dma_start3A] : memref<10240x128xf32, #tpu.memory_space<vmem_shared>> -> memref<128x128xf32, #tpu.memory_space<vmem_shared>>
      tpu.enqueue_dma source(%arg4 : memref<128x128xf32, #tpu.memory_space<hbm>>) target(%dma_start3A_72 : memref<128x128xf32, #tpu.memory_space<vmem_shared>>) target_semaphore(%run_scoped3A : memref<!tpu.dma_semaphore, #tpu.memory_space<semaphore_mem>>)
      %dma_wait3A = arith.constant 0 : i32
      %dma_wait3A_73 = tpu.memref_slice %arg6[%mul3A_21, %dma_wait3A] : memref<10240x128xf32, #tpu.memory_space<vmem_shared>> -> memref<128x128xf32, #tpu.memory_space<vmem_shared>>
      tpu.wait_dma2 semaphore(%run_scoped3A : memref<!tpu.dma_semaphore, #tpu.memory_space<semaphore_mem>>) src(%arg4 : memref<128x128xf32, #tpu.memory_space<hbm>>) dst(%dma_wait3A_73 : memref<128x128xf32, #tpu.memory_space<vmem_shared>>)
      tpu.yield
    }) : () -> ()
    %mul3A_22 = arith.constant 5 : i32
    %mul3A_23 = arith.muli %arg1, %mul3A_22 : i32
    %add3A_24 = arith.constant 4 : i32
    %add3A_25 = arith.addi %mul3A_23, %add3A_24 : i32
    %mul3A_26 = arith.constant 128 : i32
    %mul3A_27 = arith.muli %add3A_25, %mul3A_26 : i32
    "tpu.region"() ({
      %run_scoped3A = tpu.sem_alloc : memref<!tpu.dma_semaphore, #tpu.memory_space<semaphore_mem>>
      %dma_start3A = arith.constant 0 : i32
      %dma_start3A_72 = tpu.memref_slice %arg6[%mul3A_27, %dma_start3A] : memref<10240x128xf32, #tpu.memory_space<vmem_shared>> -> memref<128x128xf32, #tpu.memory_space<vmem_shared>>
      tpu.enqueue_dma source(%arg4 : memref<128x128xf32, #tpu.memory_space<hbm>>) target(%dma_start3A_72 : memref<128x128xf32, #tpu.memory_space<vmem_shared>>) target_semaphore(%run_scoped3A : memref<!tpu.dma_semaphore, #tpu.memory_space<semaphore_mem>>)
      %dma_wait3A = arith.constant 0 : i32
      %dma_wait3A_73 = tpu.memref_slice %arg6[%mul3A_27, %dma_wait3A] : memref<10240x128xf32, #tpu.memory_space<vmem_shared>> -> memref<128x128xf32, #tpu.memory_space<vmem_shared>>
      tpu.wait_dma2 semaphore(%run_scoped3A : memref<!tpu.dma_semaphore, #tpu.memory_space<semaphore_mem>>) src(%arg4 : memref<128x128xf32, #tpu.memory_space<hbm>>) dst(%dma_wait3A_73 : memref<128x128xf32, #tpu.memory_space<vmem_shared>>)
      tpu.yield
    }) : () -> ()
    %barrier3A = arith.constant 0 : index
    tpu.barrier barrier_id(%barrier3A)
    %lt3A = arith.constant 2 : i32
    %lt3A_28 = arith.cmpi slt, %arg1, %lt3A : i32
    %jit3A = arith.constant 1 : i32
    %jit3A_29 = arith.constant 0 : i32
    %select_n3A = arith.select %lt3A_28, %jit3A, %jit3A_29 : i32
    %add3A_30 = arith.constant 78 : i32
    %add3A_31 = arith.addi %add3A_30, %select_n3A : i32
    %while3A = arith.constant 0 : i32
    %while3A_32 = arith.constant 0 : i32
    %while3A_33 = arith.subi %add3A_31, %while3A_32 : i32
    %while3A_34 = arith.addi %while3A_32, %while3A_33 : i32
    %while3A_35 = arith.constant 1 : i32
    %while3A_36 = arith.divsi %while3A_33, %while3A_35 : i32
    %while3A_37 = arith.muli %while3A_36, %while3A_35 : i32
    %while3A_38 = arith.addi %while3A_32, %while3A_37 : i32
    %while3A_39 = arith.constant 1 : i32
    scf.for %while3A_72 = %while3A_32 to %while3A_38 step %while3A_39  : i32 {
      %mul3A_73 = arith.constant 16 : i32
      %mul3A_74 = arith.muli %while3A_72, %mul3A_73 : i32
      %add3A_75 = arith.addi %mul3A_74, %arg1 : i32
      %mul3A_76 = arith.constant 1250 : i32
      %mul3A_77 = arith.muli %arg0, %mul3A_76 : i32
      %add3A_78 = arith.addi %mul3A_77, %add3A_75 : i32
      "tpu.region"() ({
        %run_scoped3A_91 = tpu.sem_alloc : memref<!tpu.dma_semaphore, #tpu.memory_space<semaphore_mem>>
        %dma_start3A_92 = arith.constant 0 : i32
        %dma_start3A_93 = arith.constant 0 : i32
        %dma_start3A_94 = tpu.memref_slice %arg3[%add3A_78, %dma_start3A_92, %dma_start3A_93] : memref<2500x2x128xi32, #tpu.memory_space<hbm>> -> memref<1x2x128xi32, #tpu.memory_space<hbm>>
        %dma_start3A_95 = tpu.memref_squeeze %dma_start3A_94 : memref<1x2x128xi32, #tpu.memory_space<hbm>> -> memref<2x128xi32, #tpu.memory_space<hbm>>
        %dma_start3A_96 = arith.constant 0 : i32
        %dma_start3A_97 = arith.constant 0 : i32
        %dma_start3A_98 = tpu.memref_slice %arg3[%add3A_78, %dma_start3A_96, %dma_start3A_97] : memref<2500x2x128xi32, #tpu.memory_space<hbm>> -> memref<1x2x128xi32, #tpu.memory_space<hbm>>
        %dma_start3A_99 = tpu.memref_squeeze %dma_start3A_98 : memref<1x2x128xi32, #tpu.memory_space<hbm>> -> memref<2x128xi32, #tpu.memory_space<hbm>>
        tpu.enqueue_dma source(%dma_start3A_99 : memref<2x128xi32, #tpu.memory_space<hbm>>) target(%arg7 : memref<2x128xi32, #tpu.memory_space<vmem>>) target_semaphore(%run_scoped3A_91 : memref<!tpu.dma_semaphore, #tpu.memory_space<semaphore_mem>>)
        %dma_wait3A_100 = arith.constant 0 : i32
        %dma_wait3A_101 = arith.constant 0 : i32
        %dma_wait3A_102 = tpu.memref_slice %arg3[%add3A_78, %dma_wait3A_100, %dma_wait3A_101] : memref<2500x2x128xi32, #tpu.memory_space<hbm>> -> memref<1x2x128xi32, #tpu.memory_space<hbm>>
        %dma_wait3A_103 = tpu.memref_squeeze %dma_wait3A_102 : memref<1x2x128xi32, #tpu.memory_space<hbm>> -> memref<2x128xi32, #tpu.memory_space<hbm>>
        %dma_wait3A_104 = arith.constant 0 : i32
        %dma_wait3A_105 = arith.constant 0 : i32
        %dma_wait3A_106 = tpu.memref_slice %arg3[%add3A_78, %dma_wait3A_104, %dma_wait3A_105] : memref<2500x2x128xi32, #tpu.memory_space<hbm>> -> memref<1x2x128xi32, #tpu.memory_space<hbm>>
        %dma_wait3A_107 = tpu.memref_squeeze %dma_wait3A_106 : memref<1x2x128xi32, #tpu.memory_space<hbm>> -> memref<2x128xi32, #tpu.memory_space<hbm>>
        tpu.wait_dma2 semaphore(%run_scoped3A_91 : memref<!tpu.dma_semaphore, #tpu.memory_space<semaphore_mem>>) src(%dma_wait3A_107 : memref<2x128xi32, #tpu.memory_space<hbm>>) dst(%arg7 : memref<2x128xi32, #tpu.memory_space<vmem>>)
        tpu.yield
      }) : () -> ()
      %dma_start3A = arith.constant 0 : i32
      %dma_start3A_79 = arith.constant 0 : i32
      %dma_start3A_80 = tpu.memref_slice %arg7[%dma_start3A, %dma_start3A_79] : memref<2x128xi32, #tpu.memory_space<vmem>> -> memref<1x128xi32, #tpu.memory_space<vmem>>
      %dma_start3A_81 = tpu.memref_squeeze %dma_start3A_80 : memref<1x128xi32, #tpu.memory_space<vmem>> -> memref<128xi32, #tpu.memory_space<vmem>>
      %dma_start3A_82 = arith.constant 0 : i32
      %dma_start3A_83 = arith.constant 0 : i32
      %dma_start3A_84 = tpu.memref_slice %arg2[%dma_start3A_82, %dma_start3A_83] : memref<10000x128xf32, #tpu.memory_space<hbm>> -> memref<10000x128xf32, #tpu.memory_space<hbm>>
      tpu.enqueue_indirect_dma source(%dma_start3A_84 : memref<10000x128xf32, #tpu.memory_space<hbm>>) target(%arg9 : memref<128x128xf32, #tpu.memory_space<vmem>>) offsets(%dma_start3A_81 : memref<128xi32, #tpu.memory_space<vmem>>) semaphore(%arg10 : memref<!tpu.dma_semaphore, #tpu.memory_space<semaphore_mem>>)
      %dma_wait3A = arith.constant 0 : i32
      %dma_wait3A_85 = arith.constant 0 : i32
      %dma_wait3A_86 = tpu.memref_slice %arg7[%dma_wait3A, %dma_wait3A_85] : memref<2x128xi32, #tpu.memory_space<vmem>> -> memref<1x128xi32, #tpu.memory_space<vmem>>
      %dma_wait3A_87 = tpu.memref_squeeze %dma_wait3A_86 : memref<1x128xi32, #tpu.memory_space<vmem>> -> memref<128xi32, #tpu.memory_space<vmem>>
      %dma_wait3A_88 = arith.constant 0 : i32
      %dma_wait3A_89 = arith.constant 0 : i32
      %dma_wait3A_90 = tpu.memref_slice %arg2[%dma_wait3A_88, %dma_wait3A_89] : memref<10000x128xf32, #tpu.memory_space<hbm>> -> memref<10000x128xf32, #tpu.memory_space<hbm>>
      tpu.wait_indirect_dma semaphore(%arg10 : memref<!tpu.dma_semaphore, #tpu.memory_space<semaphore_mem>>) src(%dma_wait3A_90 : memref<10000x128xf32, #tpu.memory_space<hbm>>) dst(%arg9 : memref<128x128xf32, #tpu.memory_space<vmem>>)
      %run_scoped3A = arith.constant 1 : i32
      "tpu.region"() ({
        %run_scoped3A_91 = tpu.sem_alloc : memref<!tpu.dma_semaphore, #tpu.memory_space<semaphore_mem>>
        %dma_start3A_92 = arith.constant 0 : i32
        %dma_start3A_93 = tpu.memref_slice %arg7[%run_scoped3A, %dma_start3A_92] : memref<2x128xi32, #tpu.memory_space<vmem>> -> memref<1x128xi32, #tpu.memory_space<vmem>>
        %dma_start3A_94 = tpu.memref_squeeze %dma_start3A_93 : memref<1x128xi32, #tpu.memory_space<vmem>> -> memref<128xi32, #tpu.memory_space<vmem>>
        %dma_start3A_95 = arith.constant 0 : i32
        %dma_start3A_96 = arith.constant 0 : i32
        %dma_start3A_97 = tpu.memref_slice %arg6[%dma_start3A_95, %dma_start3A_96] : memref<10240x128xf32, #tpu.memory_space<vmem_shared>> -> memref<10240x128xf32, #tpu.memory_space<vmem_shared>>
        tpu.enqueue_indirect_dma source(%arg9 : memref<128x128xf32, #tpu.memory_space<vmem>>) target(%dma_start3A_97 : memref<10240x128xf32, #tpu.memory_space<vmem_shared>>) offsets(%dma_start3A_94 : memref<128xi32, #tpu.memory_space<vmem>>) semaphore(%run_scoped3A_91 : memref<!tpu.dma_semaphore, #tpu.memory_space<semaphore_mem>>) {add = true}
        %dma_wait3A_98 = arith.constant 0 : i32
        %dma_wait3A_99 = tpu.memref_slice %arg7[%run_scoped3A, %dma_wait3A_98] : memref<2x128xi32, #tpu.memory_space<vmem>> -> memref<1x128xi32, #tpu.memory_space<vmem>>
        %dma_wait3A_100 = tpu.memref_squeeze %dma_wait3A_99 : memref<1x128xi32, #tpu.memory_space<vmem>> -> memref<128xi32, #tpu.memory_space<vmem>>
        %dma_wait3A_101 = arith.constant 0 : i32
        %dma_wait3A_102 = arith.constant 0 : i32
        %dma_wait3A_103 = tpu.memref_slice %arg6[%dma_wait3A_101, %dma_wait3A_102] : memref<10240x128xf32, #tpu.memory_space<vmem_shared>> -> memref<10240x128xf32, #tpu.memory_space<vmem_shared>>
        tpu.wait_indirect_dma semaphore(%run_scoped3A_91 : memref<!tpu.dma_semaphore, #tpu.memory_space<semaphore_mem>>) src(%arg9 : memref<128x128xf32, #tpu.memory_space<vmem>>) dst(%dma_wait3A_103 : memref<10240x128xf32, #tpu.memory_space<vmem_shared>>)
        tpu.yield
      }) : () -> ()
    }
    %while3A_40 = arith.constant 1 : i32
    scf.for %while3A_72 = %while3A_38 to %while3A_34 step %while3A_40  : i32 {
      %mul3A_73 = arith.constant 16 : i32
      %mul3A_74 = arith.muli %while3A_72, %mul3A_73 : i32
      %add3A_75 = arith.addi %mul3A_74, %arg1 : i32
      %mul3A_76 = arith.constant 1250 : i32
      %mul3A_77 = arith.muli %arg0, %mul3A_76 : i32
      %add3A_78 = arith.addi %mul3A_77, %add3A_75 : i32
      "tpu.region"() ({
        %run_scoped3A_91 = tpu.sem_alloc : memref<!tpu.dma_semaphore, #tpu.memory_space<semaphore_mem>>
        %dma_start3A_92 = arith.constant 0 : i32
        %dma_start3A_93 = arith.constant 0 : i32
        %dma_start3A_94 = tpu.memref_slice %arg3[%add3A_78, %dma_start3A_92, %dma_start3A_93] : memref<2500x2x128xi32, #tpu.memory_space<hbm>> -> memref<1x2x128xi32, #tpu.memory_space<hbm>>
        %dma_start3A_95 = tpu.memref_squeeze %dma_start3A_94 : memref<1x2x128xi32, #tpu.memory_space<hbm>> -> memref<2x128xi32, #tpu.memory_space<hbm>>
        %dma_start3A_96 = arith.constant 0 : i32
        %dma_start3A_97 = arith.constant 0 : i32
        %dma_start3A_98 = tpu.memref_slice %arg3[%add3A_78, %dma_start3A_96, %dma_start3A_97] : memref<2500x2x128xi32, #tpu.memory_space<hbm>> -> memref<1x2x128xi32, #tpu.memory_space<hbm>>
        %dma_start3A_99 = tpu.memref_squeeze %dma_start3A_98 : memref<1x2x128xi32, #tpu.memory_space<hbm>> -> memref<2x128xi32, #tpu.memory_space<hbm>>
        tpu.enqueue_dma source(%dma_start3A_99 : memref<2x128xi32, #tpu.memory_space<hbm>>) target(%arg7 : memref<2x128xi32, #tpu.memory_space<vmem>>) target_semaphore(%run_scoped3A_91 : memref<!tpu.dma_semaphore, #tpu.memory_space<semaphore_mem>>)
        %dma_wait3A_100 = arith.constant 0 : i32
        %dma_wait3A_101 = arith.constant 0 : i32
        %dma_wait3A_102 = tpu.memref_slice %arg3[%add3A_78, %dma_wait3A_100, %dma_wait3A_101] : memref<2500x2x128xi32, #tpu.memory_space<hbm>> -> memref<1x2x128xi32, #tpu.memory_space<hbm>>
        %dma_wait3A_103 = tpu.memref_squeeze %dma_wait3A_102 : memref<1x2x128xi32, #tpu.memory_space<hbm>> -> memref<2x128xi32, #tpu.memory_space<hbm>>
        %dma_wait3A_104 = arith.constant 0 : i32
        %dma_wait3A_105 = arith.constant 0 : i32
        %dma_wait3A_106 = tpu.memref_slice %arg3[%add3A_78, %dma_wait3A_104, %dma_wait3A_105] : memref<2500x2x128xi32, #tpu.memory_space<hbm>> -> memref<1x2x128xi32, #tpu.memory_space<hbm>>
        %dma_wait3A_107 = tpu.memref_squeeze %dma_wait3A_106 : memref<1x2x128xi32, #tpu.memory_space<hbm>> -> memref<2x128xi32, #tpu.memory_space<hbm>>
        tpu.wait_dma2 semaphore(%run_scoped3A_91 : memref<!tpu.dma_semaphore, #tpu.memory_space<semaphore_mem>>) src(%dma_wait3A_107 : memref<2x128xi32, #tpu.memory_space<hbm>>) dst(%arg7 : memref<2x128xi32, #tpu.memory_space<vmem>>)
        tpu.yield
      }) : () -> ()
      %dma_start3A = arith.constant 0 : i32
      %dma_start3A_79 = arith.constant 0 : i32
      %dma_start3A_80 = tpu.memref_slice %arg7[%dma_start3A, %dma_start3A_79] : memref<2x128xi32, #tpu.memory_space<vmem>> -> memref<1x128xi32, #tpu.memory_space<vmem>>
      %dma_start3A_81 = tpu.memref_squeeze %dma_start3A_80 : memref<1x128xi32, #tpu.memory_space<vmem>> -> memref<128xi32, #tpu.memory_space<vmem>>
      %dma_start3A_82 = arith.constant 0 : i32
      %dma_start3A_83 = arith.constant 0 : i32
      %dma_start3A_84 = tpu.memref_slice %arg2[%dma_start3A_82, %dma_start3A_83] : memref<10000x128xf32, #tpu.memory_space<hbm>> -> memref<10000x128xf32, #tpu.memory_space<hbm>>
      tpu.enqueue_indirect_dma source(%dma_start3A_84 : memref<10000x128xf32, #tpu.memory_space<hbm>>) target(%arg9 : memref<128x128xf32, #tpu.memory_space<vmem>>) offsets(%dma_start3A_81 : memref<128xi32, #tpu.memory_space<vmem>>) semaphore(%arg10 : memref<!tpu.dma_semaphore, #tpu.memory_space<semaphore_mem>>)
      %dma_wait3A = arith.constant 0 : i32
      %dma_wait3A_85 = arith.constant 0 : i32
      %dma_wait3A_86 = tpu.memref_slice %arg7[%dma_wait3A, %dma_wait3A_85] : memref<2x128xi32, #tpu.memory_space<vmem>> -> memref<1x128xi32, #tpu.memory_space<vmem>>
      %dma_wait3A_87 = tpu.memref_squeeze %dma_wait3A_86 : memref<1x128xi32, #tpu.memory_space<vmem>> -> memref<128xi32, #tpu.memory_space<vmem>>
      %dma_wait3A_88 = arith.constant 0 : i32
      %dma_wait3A_89 = arith.constant 0 : i32
      %dma_wait3A_90 = tpu.memref_slice %arg2[%dma_wait3A_88, %dma_wait3A_89] : memref<10000x128xf32, #tpu.memory_space<hbm>> -> memref<10000x128xf32, #tpu.memory_space<hbm>>
      tpu.wait_indirect_dma semaphore(%arg10 : memref<!tpu.dma_semaphore, #tpu.memory_space<semaphore_mem>>) src(%dma_wait3A_90 : memref<10000x128xf32, #tpu.memory_space<hbm>>) dst(%arg9 : memref<128x128xf32, #tpu.memory_space<vmem>>)
      %run_scoped3A = arith.constant 1 : i32
      "tpu.region"() ({
        %run_scoped3A_91 = tpu.sem_alloc : memref<!tpu.dma_semaphore, #tpu.memory_space<semaphore_mem>>
        %dma_start3A_92 = arith.constant 0 : i32
        %dma_start3A_93 = tpu.memref_slice %arg7[%run_scoped3A, %dma_start3A_92] : memref<2x128xi32, #tpu.memory_space<vmem>> -> memref<1x128xi32, #tpu.memory_space<vmem>>
        %dma_start3A_94 = tpu.memref_squeeze %dma_start3A_93 : memref<1x128xi32, #tpu.memory_space<vmem>> -> memref<128xi32, #tpu.memory_space<vmem>>
        %dma_start3A_95 = arith.constant 0 : i32
        %dma_start3A_96 = arith.constant 0 : i32
        %dma_start3A_97 = tpu.memref_slice %arg6[%dma_start3A_95, %dma_start3A_96] : memref<10240x128xf32, #tpu.memory_space<vmem_shared>> -> memref<10240x128xf32, #tpu.memory_space<vmem_shared>>
        tpu.enqueue_indirect_dma source(%arg9 : memref<128x128xf32, #tpu.memory_space<vmem>>) target(%dma_start3A_97 : memref<10240x128xf32, #tpu.memory_space<vmem_shared>>) offsets(%dma_start3A_94 : memref<128xi32, #tpu.memory_space<vmem>>) semaphore(%run_scoped3A_91 : memref<!tpu.dma_semaphore, #tpu.memory_space<semaphore_mem>>) {add = true}
        %dma_wait3A_98 = arith.constant 0 : i32
        %dma_wait3A_99 = tpu.memref_slice %arg7[%run_scoped3A, %dma_wait3A_98] : memref<2x128xi32, #tpu.memory_space<vmem>> -> memref<1x128xi32, #tpu.memory_space<vmem>>
        %dma_wait3A_100 = tpu.memref_squeeze %dma_wait3A_99 : memref<1x128xi32, #tpu.memory_space<vmem>> -> memref<128xi32, #tpu.memory_space<vmem>>
        %dma_wait3A_101 = arith.constant 0 : i32
        %dma_wait3A_102 = arith.constant 0 : i32
        %dma_wait3A_103 = tpu.memref_slice %arg6[%dma_wait3A_101, %dma_wait3A_102] : memref<10240x128xf32, #tpu.memory_space<vmem_shared>> -> memref<10240x128xf32, #tpu.memory_space<vmem_shared>>
        tpu.wait_indirect_dma semaphore(%run_scoped3A_91 : memref<!tpu.dma_semaphore, #tpu.memory_space<semaphore_mem>>) src(%arg9 : memref<128x128xf32, #tpu.memory_space<vmem>>) dst(%dma_wait3A_103 : memref<10240x128xf32, #tpu.memory_space<vmem_shared>>)
        tpu.yield
      }) : () -> ()
    }
    %barrier3A_41 = arith.constant 0 : index
    tpu.barrier barrier_id(%barrier3A_41)
    %mul3A_42 = arith.constant 5 : i32
    %mul3A_43 = arith.muli %arg1, %mul3A_42 : i32
    %add3A_44 = arith.constant 0 : i32
    %add3A_45 = arith.addi %mul3A_43, %add3A_44 : i32
    %mul3A_46 = arith.constant 128 : i32
    %mul3A_47 = arith.muli %add3A_45, %mul3A_46 : i32
    "tpu.region"() ({
      %run_scoped3A = tpu.sem_alloc : memref<!tpu.dma_semaphore, #tpu.memory_space<semaphore_mem>>
      %dma_start3A = arith.constant 0 : i32
      %dma_start3A_72 = tpu.memref_slice %arg5[%arg0, %mul3A_47, %dma_start3A] : memref<2x10240x128xf32, #tpu.memory_space<hbm>> -> memref<1x128x128xf32, #tpu.memory_space<hbm>>
      %dma_start3A_73 = tpu.memref_squeeze %dma_start3A_72 : memref<1x128x128xf32, #tpu.memory_space<hbm>> -> memref<128x128xf32, #tpu.memory_space<hbm>>
      %dma_start3A_74 = arith.constant 0 : i32
      %dma_start3A_75 = tpu.memref_slice %arg6[%mul3A_47, %dma_start3A_74] : memref<10240x128xf32, #tpu.memory_space<vmem_shared>> -> memref<128x128xf32, #tpu.memory_space<vmem_shared>>
      tpu.enqueue_dma source(%dma_start3A_75 : memref<128x128xf32, #tpu.memory_space<vmem_shared>>) target(%dma_start3A_73 : memref<128x128xf32, #tpu.memory_space<hbm>>) target_semaphore(%run_scoped3A : memref<!tpu.dma_semaphore, #tpu.memory_space<semaphore_mem>>)
      %dma_wait3A = arith.constant 0 : i32
      %dma_wait3A_76 = tpu.memref_slice %arg5[%arg0, %mul3A_47, %dma_wait3A] : memref<2x10240x128xf32, #tpu.memory_space<hbm>> -> memref<1x128x128xf32, #tpu.memory_space<hbm>>
      %dma_wait3A_77 = tpu.memref_squeeze %dma_wait3A_76 : memref<1x128x128xf32, #tpu.memory_space<hbm>> -> memref<128x128xf32, #tpu.memory_space<hbm>>
      %dma_wait3A_78 = arith.constant 0 : i32
      %dma_wait3A_79 = tpu.memref_slice %arg6[%mul3A_47, %dma_wait3A_78] : memref<10240x128xf32, #tpu.memory_space<vmem_shared>> -> memref<128x128xf32, #tpu.memory_space<vmem_shared>>
      tpu.wait_dma2 semaphore(%run_scoped3A : memref<!tpu.dma_semaphore, #tpu.memory_space<semaphore_mem>>) src(%dma_wait3A_79 : memref<128x128xf32, #tpu.memory_space<vmem_shared>>) dst(%dma_wait3A_77 : memref<128x128xf32, #tpu.memory_space<hbm>>)
      tpu.yield
    }) : () -> ()
    %mul3A_48 = arith.constant 5 : i32
    %mul3A_49 = arith.muli %arg1, %mul3A_48 : i32
    %add3A_50 = arith.constant 1 : i32
    %add3A_51 = arith.addi %mul3A_49, %add3A_50 : i32
    %mul3A_52 = arith.constant 128 : i32
    %mul3A_53 = arith.muli %add3A_51, %mul3A_52 : i32
    "tpu.region"() ({
      %run_scoped3A = tpu.sem_alloc : memref<!tpu.dma_semaphore, #tpu.memory_space<semaphore_mem>>
      %dma_start3A = arith.constant 0 : i32
      %dma_start3A_72 = tpu.memref_slice %arg5[%arg0, %mul3A_53, %dma_start3A] : memref<2x10240x128xf32, #tpu.memory_space<hbm>> -> memref<1x128x128xf32, #tpu.memory_space<hbm>>
      %dma_start3A_73 = tpu.memref_squeeze %dma_start3A_72 : memref<1x128x128xf32, #tpu.memory_space<hbm>> -> memref<128x128xf32, #tpu.memory_space<hbm>>
      %dma_start3A_74 = arith.constant 0 : i32
      %dma_start3A_75 = tpu.memref_slice %arg6[%mul3A_53, %dma_start3A_74] : memref<10240x128xf32, #tpu.memory_space<vmem_shared>> -> memref<128x128xf32, #tpu.memory_space<vmem_shared>>
      tpu.enqueue_dma source(%dma_start3A_75 : memref<128x128xf32, #tpu.memory_space<vmem_shared>>) target(%dma_start3A_73 : memref<128x128xf32, #tpu.memory_space<hbm>>) target_semaphore(%run_scoped3A : memref<!tpu.dma_semaphore, #tpu.memory_space<semaphore_mem>>)
      %dma_wait3A = arith.constant 0 : i32
      %dma_wait3A_76 = tpu.memref_slice %arg5[%arg0, %mul3A_53, %dma_wait3A] : memref<2x10240x128xf32, #tpu.memory_space<hbm>> -> memref<1x128x128xf32, #tpu.memory_space<hbm>>
      %dma_wait3A_77 = tpu.memref_squeeze %dma_wait3A_76 : memref<1x128x128xf32, #tpu.memory_space<hbm>> -> memref<128x128xf32, #tpu.memory_space<hbm>>
      %dma_wait3A_78 = arith.constant 0 : i32
      %dma_wait3A_79 = tpu.memref_slice %arg6[%mul3A_53, %dma_wait3A_78] : memref<10240x128xf32, #tpu.memory_space<vmem_shared>> -> memref<128x128xf32, #tpu.memory_space<vmem_shared>>
      tpu.wait_dma2 semaphore(%run_scoped3A : memref<!tpu.dma_semaphore, #tpu.memory_space<semaphore_mem>>) src(%dma_wait3A_79 : memref<128x128xf32, #tpu.memory_space<vmem_shared>>) dst(%dma_wait3A_77 : memref<128x128xf32, #tpu.memory_space<hbm>>)
      tpu.yield
    }) : () -> ()
    %mul3A_54 = arith.constant 5 : i32
    %mul3A_55 = arith.muli %arg1, %mul3A_54 : i32
    %add3A_56 = arith.constant 2 : i32
    %add3A_57 = arith.addi %mul3A_55, %add3A_56 : i32
    %mul3A_58 = arith.constant 128 : i32
    %mul3A_59 = arith.muli %add3A_57, %mul3A_58 : i32
    "tpu.region"() ({
      %run_scoped3A = tpu.sem_alloc : memref<!tpu.dma_semaphore, #tpu.memory_space<semaphore_mem>>
      %dma_start3A = arith.constant 0 : i32
      %dma_start3A_72 = tpu.memref_slice %arg5[%arg0, %mul3A_59, %dma_start3A] : memref<2x10240x128xf32, #tpu.memory_space<hbm>> -> memref<1x128x128xf32, #tpu.memory_space<hbm>>
      %dma_start3A_73 = tpu.memref_squeeze %dma_start3A_72 : memref<1x128x128xf32, #tpu.memory_space<hbm>> -> memref<128x128xf32, #tpu.memory_space<hbm>>
      %dma_start3A_74 = arith.constant 0 : i32
      %dma_start3A_75 = tpu.memref_slice %arg6[%mul3A_59, %dma_start3A_74] : memref<10240x128xf32, #tpu.memory_space<vmem_shared>> -> memref<128x128xf32, #tpu.memory_space<vmem_shared>>
      tpu.enqueue_dma source(%dma_start3A_75 : memref<128x128xf32, #tpu.memory_space<vmem_shared>>) target(%dma_start3A_73 : memref<128x128xf32, #tpu.memory_space<hbm>>) target_semaphore(%run_scoped3A : memref<!tpu.dma_semaphore, #tpu.memory_space<semaphore_mem>>)
      %dma_wait3A = arith.constant 0 : i32
      %dma_wait3A_76 = tpu.memref_slice %arg5[%arg0, %mul3A_59, %dma_wait3A] : memref<2x10240x128xf32, #tpu.memory_space<hbm>> -> memref<1x128x128xf32, #tpu.memory_space<hbm>>
      %dma_wait3A_77 = tpu.memref_squeeze %dma_wait3A_76 : memref<1x128x128xf32, #tpu.memory_space<hbm>> -> memref<128x128xf32, #tpu.memory_space<hbm>>
      %dma_wait3A_78 = arith.constant 0 : i32
      %dma_wait3A_79 = tpu.memref_slice %arg6[%mul3A_59, %dma_wait3A_78] : memref<10240x128xf32, #tpu.memory_space<vmem_shared>> -> memref<128x128xf32, #tpu.memory_space<vmem_shared>>
      tpu.wait_dma2 semaphore(%run_scoped3A : memref<!tpu.dma_semaphore, #tpu.memory_space<semaphore_mem>>) src(%dma_wait3A_79 : memref<128x128xf32, #tpu.memory_space<vmem_shared>>) dst(%dma_wait3A_77 : memref<128x128xf32, #tpu.memory_space<hbm>>)
      tpu.yield
    }) : () -> ()
    %mul3A_60 = arith.constant 5 : i32
    %mul3A_61 = arith.muli %arg1, %mul3A_60 : i32
    %add3A_62 = arith.constant 3 : i32
    %add3A_63 = arith.addi %mul3A_61, %add3A_62 : i32
    %mul3A_64 = arith.constant 128 : i32
    %mul3A_65 = arith.muli %add3A_63, %mul3A_64 : i32
    "tpu.region"() ({
      %run_scoped3A = tpu.sem_alloc : memref<!tpu.dma_semaphore, #tpu.memory_space<semaphore_mem>>
      %dma_start3A = arith.constant 0 : i32
      %dma_start3A_72 = tpu.memref_slice %arg5[%arg0, %mul3A_65, %dma_start3A] : memref<2x10240x128xf32, #tpu.memory_space<hbm>> -> memref<1x128x128xf32, #tpu.memory_space<hbm>>
      %dma_start3A_73 = tpu.memref_squeeze %dma_start3A_72 : memref<1x128x128xf32, #tpu.memory_space<hbm>> -> memref<128x128xf32, #tpu.memory_space<hbm>>
      %dma_start3A_74 = arith.constant 0 : i32
      %dma_start3A_75 = tpu.memref_slice %arg6[%mul3A_65, %dma_start3A_74] : memref<10240x128xf32, #tpu.memory_space<vmem_shared>> -> memref<128x128xf32, #tpu.memory_space<vmem_shared>>
      tpu.enqueue_dma source(%dma_start3A_75 : memref<128x128xf32, #tpu.memory_space<vmem_shared>>) target(%dma_start3A_73 : memref<128x128xf32, #tpu.memory_space<hbm>>) target_semaphore(%run_scoped3A : memref<!tpu.dma_semaphore, #tpu.memory_space<semaphore_mem>>)
      %dma_wait3A = arith.constant 0 : i32
      %dma_wait3A_76 = tpu.memref_slice %arg5[%arg0, %mul3A_65, %dma_wait3A] : memref<2x10240x128xf32, #tpu.memory_space<hbm>> -> memref<1x128x128xf32, #tpu.memory_space<hbm>>
      %dma_wait3A_77 = tpu.memref_squeeze %dma_wait3A_76 : memref<1x128x128xf32, #tpu.memory_space<hbm>> -> memref<128x128xf32, #tpu.memory_space<hbm>>
      %dma_wait3A_78 = arith.constant 0 : i32
      %dma_wait3A_79 = tpu.memref_slice %arg6[%mul3A_65, %dma_wait3A_78] : memref<10240x128xf32, #tpu.memory_space<vmem_shared>> -> memref<128x128xf32, #tpu.memory_space<vmem_shared>>
      tpu.wait_dma2 semaphore(%run_scoped3A : memref<!tpu.dma_semaphore, #tpu.memory_space<semaphore_mem>>) src(%dma_wait3A_79 : memref<128x128xf32, #tpu.memory_space<vmem_shared>>) dst(%dma_wait3A_77 : memref<128x128xf32, #tpu.memory_space<hbm>>)
      tpu.yield
    }) : () -> ()
    %mul3A_66 = arith.constant 5 : i32
    %mul3A_67 = arith.muli %arg1, %mul3A_66 : i32
    %add3A_68 = arith.constant 4 : i32
    %add3A_69 = arith.addi %mul3A_67, %add3A_68 : i32
    %mul3A_70 = arith.constant 128 : i32
    %mul3A_71 = arith.muli %add3A_69, %mul3A_70 : i32
    "tpu.region"() ({
      %run_scoped3A = tpu.sem_alloc : memref<!tpu.dma_semaphore, #tpu.memory_space<semaphore_mem>>
      %dma_start3A = arith.constant 0 : i32
      %dma_start3A_72 = tpu.memref_slice %arg5[%arg0, %mul3A_71, %dma_start3A] : memref<2x10240x128xf32, #tpu.memory_space<hbm>> -> memref<1x128x128xf32, #tpu.memory_space<hbm>>
      %dma_start3A_73 = tpu.memref_squeeze %dma_start3A_72 : memref<1x128x128xf32, #tpu.memory_space<hbm>> -> memref<128x128xf32, #tpu.memory_space<hbm>>
      %dma_start3A_74 = arith.constant 0 : i32
      %dma_start3A_75 = tpu.memref_slice %arg6[%mul3A_71, %dma_start3A_74] : memref<10240x128xf32, #tpu.memory_space<vmem_shared>> -> memref<128x128xf32, #tpu.memory_space<vmem_shared>>
      tpu.enqueue_dma source(%dma_start3A_75 : memref<128x128xf32, #tpu.memory_space<vmem_shared>>) target(%dma_start3A_73 : memref<128x128xf32, #tpu.memory_space<hbm>>) target_semaphore(%run_scoped3A : memref<!tpu.dma_semaphore, #tpu.memory_space<semaphore_mem>>)
      %dma_wait3A = arith.constant 0 : i32
      %dma_wait3A_76 = tpu.memref_slice %arg5[%arg0, %mul3A_71, %dma_wait3A] : memref<2x10240x128xf32, #tpu.memory_space<hbm>> -> memref<1x128x128xf32, #tpu.memory_space<hbm>>
      %dma_wait3A_77 = tpu.memref_squeeze %dma_wait3A_76 : memref<1x128x128xf32, #tpu.memory_space<hbm>> -> memref<128x128xf32, #tpu.memory_space<hbm>>
      %dma_wait3A_78 = arith.constant 0 : i32
      %dma_wait3A_79 = tpu.memref_slice %arg6[%mul3A_71, %dma_wait3A_78] : memref<10240x128xf32, #tpu.memory_space<vmem_shared>> -> memref<128x128xf32, #tpu.memory_space<vmem_shared>>
      tpu.wait_dma2 semaphore(%run_scoped3A : memref<!tpu.dma_semaphore, #tpu.memory_space<semaphore_mem>>) src(%dma_wait3A_79 : memref<128x128xf32, #tpu.memory_space<vmem_shared>>) dst(%dma_wait3A_77 : memref<128x128xf32, #tpu.memory_space<hbm>>)
      tpu.yield
    }) : () -> ()
    return
  }
}

module attributes {stable_mosaic.version = 14 : i64} {
  func.func @_linear_relu_body(%arg0: i32, %arg1: memref<2x2000x128xf32, #tpu.memory_space<vmem>>, %arg2: memref<128x128xf32, #tpu.memory_space<vmem>>, %arg3: memref<1x128xf32, #tpu.memory_space<vmem>>, %arg4: memref<2000x128xf32, #tpu.memory_space<vmem>>) attributes {dimension_semantics = [#tpu.dimension_semantics<arbitrary>], iteration_bounds = array<i64: 5>, scalar_prefetch = 0 : i64, scratch_operands = 0 : i64, tpu.core_type = #tpu.core_type<tc>, window_params = [{transform_indices = @transform_0, window_bounds = array<i64: 2, 2000, 128>}, {pipeline_mode = #tpu.pipeline_mode<synchronous>, transform_indices = @transform_1, window_bounds = array<i64: 128, 128>}, {pipeline_mode = #tpu.pipeline_mode<synchronous>, transform_indices = @transform_2, window_bounds = array<i64: 1, 128>}, {transform_indices = @transform_3, window_bounds = array<i64: 2000, 128>}]} {
    %get3A = arith.constant 0 : index
    %get3A_0 = arith.constant 0 : index
    %get3A_1 = arith.constant 0 : index
    %get3A_2 = vector.load %arg1[%get3A, %get3A_0, %get3A_1] : memref<2x2000x128xf32, #tpu.memory_space<vmem>>, vector<1x2000x128xf32>
    %get3A_3 = vector.shape_cast %get3A_2 : vector<1x2000x128xf32> to vector<2000x128xf32>
    %get3A_4 = arith.constant 1 : index
    %get3A_5 = arith.constant 0 : index
    %get3A_6 = arith.constant 0 : index
    %get3A_7 = vector.load %arg1[%get3A_4, %get3A_5, %get3A_6] : memref<2x2000x128xf32, #tpu.memory_space<vmem>>, vector<1x2000x128xf32>
    %get3A_8 = vector.shape_cast %get3A_7 : vector<1x2000x128xf32> to vector<2000x128xf32>
    %add3A = arith.addf %get3A_3, %get3A_8 : vector<2000x128xf32>
    %get3A_9 = arith.constant 0 : index
    %get3A_10 = arith.constant 0 : index
    %get3A_11 = vector.load %arg2[%get3A_9, %get3A_10] : memref<128x128xf32, #tpu.memory_space<vmem>>, vector<128x128xf32>
    %dot_general3A = arith.constant dense<0.000000e+00> : vector<2000x128xf32>
    %dot_general3A_12 = tpu.matmul %add3A, %get3A_11, %dot_general3A {dimension_numbers = #tpu.dot_dimension_numbers<[1], [0], [0], [1], [0, 0, 1, 1], [], []>, transpose_lhs_hint = false} : vector<2000x128xf32>, vector<128x128xf32>, vector<2000x128xf32> -> vector<2000x128xf32>
    %get3A_13 = arith.constant 0 : index
    %get3A_14 = arith.constant 0 : index
    %get3A_15 = vector.load %arg3[%get3A_13, %get3A_14] : memref<1x128xf32, #tpu.memory_space<vmem>>, vector<1x128xf32>
    %add3A_16 = vector.broadcast %get3A_15 : vector<1x128xf32> to vector<2000x128xf32>
    %add3A_17 = arith.addf %dot_general3A_12, %add3A_16 : vector<2000x128xf32>
    %max3A = arith.constant 0.000000e+00 : f32
    %max3A_18 = vector.broadcast %max3A : f32 to vector<2000x128xf32>
    %max3A_19 = arith.maximumf %add3A_17, %max3A_18 : vector<2000x128xf32>
    %swap3A = arith.constant 0 : index
    %swap3A_20 = arith.constant 0 : index
    %swap3A_21 = vector.load %arg4[%swap3A, %swap3A_20] : memref<2000x128xf32, #tpu.memory_space<vmem>>, vector<2000x128xf32>
    tpu.vector_store %arg4[%swap3A, %swap3A_20], %max3A_19 {strides = array<i32>} : memref<2000x128xf32, #tpu.memory_space<vmem>>, vector<2000x128xf32>,
    return
  }
  func.func @transform_0(%arg0: i32) -> (i32, i32, i32) {
    %c0_i32 = arith.constant 0 : i32
    %c0_i32_0 = arith.constant 0 : i32
    %c0_i32_1 = arith.constant 0 : i32
    return %c0_i32, %arg0, %c0_i32_0 : i32, i32, i32
  }
  func.func @transform_1(%arg0: i32) -> (i32, i32) {
    %c0_i32 = arith.constant 0 : i32
    %c0_i32_0 = arith.constant 0 : i32
    %c0_i32_1 = arith.constant 0 : i32
    return %c0_i32, %c0_i32_0 : i32, i32
  }
  func.func @transform_2(%arg0: i32) -> (i32, i32) {
    %c0_i32 = arith.constant 0 : i32
    %c0_i32_0 = arith.constant 0 : i32
    %c0_i32_1 = arith.constant 0 : i32
    return %c0_i32, %c0_i32_0 : i32, i32
  }
  func.func @transform_3(%arg0: i32) -> (i32, i32) {
    %c0_i32 = arith.constant 0 : i32
    %c0_i32_0 = arith.constant 0 : i32
    return %arg0, %c0_i32 : i32, i32
  }
}

module attributes {stable_mosaic.version = 14 : i64} {
  func.func @_linear_relu_body(%arg0: i32, %arg1: memref<2x2000x128xf32, #tpu.memory_space<vmem>>, %arg2: memref<128x128xf32, #tpu.memory_space<vmem>>, %arg3: memref<1x128xf32, #tpu.memory_space<vmem>>, %arg4: memref<2000x128xf32, #tpu.memory_space<vmem>>) attributes {dimension_semantics = [#tpu.dimension_semantics<arbitrary>], iteration_bounds = array<i64: 5>, scalar_prefetch = 0 : i64, scratch_operands = 0 : i64, tpu.core_type = #tpu.core_type<tc>, window_params = [{transform_indices = @transform_0, window_bounds = array<i64: 2, 2000, 128>}, {pipeline_mode = #tpu.pipeline_mode<synchronous>, transform_indices = @transform_1, window_bounds = array<i64: 128, 128>}, {pipeline_mode = #tpu.pipeline_mode<synchronous>, transform_indices = @transform_2, window_bounds = array<i64: 1, 128>}, {transform_indices = @transform_3, window_bounds = array<i64: 2000, 128>}]} {
    %get3A = arith.constant 0 : index
    %get3A_0 = arith.constant 0 : index
    %get3A_1 = arith.constant 0 : index
    %get3A_2 = vector.load %arg1[%get3A, %get3A_0, %get3A_1] : memref<2x2000x128xf32, #tpu.memory_space<vmem>>, vector<1x2000x128xf32>
    %get3A_3 = vector.shape_cast %get3A_2 : vector<1x2000x128xf32> to vector<2000x128xf32>
    %get3A_4 = arith.constant 1 : index
    %get3A_5 = arith.constant 0 : index
    %get3A_6 = arith.constant 0 : index
    %get3A_7 = vector.load %arg1[%get3A_4, %get3A_5, %get3A_6] : memref<2x2000x128xf32, #tpu.memory_space<vmem>>, vector<1x2000x128xf32>
    %get3A_8 = vector.shape_cast %get3A_7 : vector<1x2000x128xf32> to vector<2000x128xf32>
    %add3A = arith.addf %get3A_3, %get3A_8 : vector<2000x128xf32>
    %get3A_9 = arith.constant 0 : index
    %get3A_10 = arith.constant 0 : index
    %get3A_11 = vector.load %arg2[%get3A_9, %get3A_10] : memref<128x128xf32, #tpu.memory_space<vmem>>, vector<128x128xf32>
    %dot_general3A = arith.constant dense<0.000000e+00> : vector<2000x128xf32>
    %dot_general3A_12 = tpu.matmul %add3A, %get3A_11, %dot_general3A {dimension_numbers = #tpu.dot_dimension_numbers<[1], [0], [0], [1], [0, 0, 1, 1], [], []>, transpose_lhs_hint = false} : vector<2000x128xf32>, vector<128x128xf32>, vector<2000x128xf32> -> vector<2000x128xf32>
    %get3A_13 = arith.constant 0 : index
    %get3A_14 = arith.constant 0 : index
    %get3A_15 = vector.load %arg3[%get3A_13, %get3A_14] : memref<1x128xf32, #tpu.memory_space<vmem>>, vector<1x128xf32>
    %add3A_16 = vector.broadcast %get3A_15 : vector<1x128xf32> to vector<2000x128xf32>
    %add3A_17 = arith.addf %dot_general3A_12, %add3A_16 : vector<2000x128xf32>
    %max3A = arith.constant 0.000000e+00 : f32
    %max3A_18 = vector.broadcast %max3A : f32 to vector<2000x128xf32>
    %max3A_19 = arith.maximumf %add3A_17, %max3A_18 : vector<2000x128xf32>
    %swap3A = arith.constant 0 : index
    %swap3A_20 = arith.constant 0 : index
    %swap3A_21 = vector.load %arg4[%swap3A, %swap3A_20] : memref<2000x128xf32, #tpu.memory_space<vmem>>, vector<2000x128xf32>
    tpu.vector_store %arg4[%swap3A, %swap3A_20], %max3A_19 {strides = array<i32>} : memref<2000x128xf32, #tpu.memory_space<vmem>>, vector<2000x128xf32>,
    return
  }
  func.func @transform_0(%arg0: i32) -> (i32, i32, i32) {
    %c0_i32 = arith.constant 0 : i32
    %c0_i32_0 = arith.constant 0 : i32
    %c0_i32_1 = arith.constant 0 : i32
    return %c0_i32, %arg0, %c0_i32_0 : i32, i32, i32
  }
  func.func @transform_1(%arg0: i32) -> (i32, i32) {
    %c0_i32 = arith.constant 0 : i32
    %c0_i32_0 = arith.constant 0 : i32
    %c0_i32_1 = arith.constant 0 : i32
    return %c0_i32, %c0_i32_0 : i32, i32
  }
  func.func @transform_2(%arg0: i32) -> (i32, i32) {
    %c0_i32 = arith.constant 0 : i32
    %c0_i32_0 = arith.constant 0 : i32
    %c0_i32_1 = arith.constant 0 : i32
    return %c0_i32, %c0_i32_0 : i32, i32
  }
  func.func @transform_3(%arg0: i32) -> (i32, i32) {
    %c0_i32 = arith.constant 0 : i32
    %c0_i32_0 = arith.constant 0 : i32
    return %arg0, %c0_i32 : i32, i32
  }
}

</mosaic_0001>

<sc_bundles>
// kernel: edge_agg.3.cloned.1.call-start
scs
__scs_entry_jumppad:
0x0: {  	(pc) =	sbr.rel $0x88, $3  }
0x1: {  	(tag) =	ssettag $0x0;
	lr =	simm.s32 $0x1  }
0x2: {  	[smem:$0x3F9A] =	sst lr;
	_ =	strace $0xD0000000  }
0x3: {  	_ = 	snop  }
0x4: {  	_ = 	snop  }
0x5: {  	_ = 	snop  }
0x6: {  	_ = 	snop  }
0x7: {  	_ = 	snop  }
__scs_overlays_trampoline_lowered:
0x8: {  	[smem:$0x3FA9] =	sst s0  }
0x9: {  	[smem:$0x3FAA] =	sst s1  }
0xa: {  	[smem:$0x3FAB] =	sst s2  }
0xb: {  	[smem:$0x3FAC] =	sst s3  }
0xc: {  	[smem:$0x3FAD] =	sst s4  }
0xd: {  	[smem:$0x3FAE] =	sst s5  }
0xe: {  	[smem:$0x3FAF] =	sst s6  }
0xf: {  	[smem:$0x3FB0] =	sst s7  }
0x10: {  	[smem:$0x3FB1] =	sst s8  }
0x11: {  	[smem:$0x3FB2] =	sst s9;
	s0 =	simm.s32 @!p0 $0x0  }
0x12: {  	s1 =	sld [smem:$0x3F98];
	s0 =	simm.s32 @p0 $0x1  }
0x13: {  	[smem:$0x3FB3] =	sst s0;
	s0 =	simm.s32 @!p1 $0x0  }
0x14: {  	s2 =	sld [smem:$0x3F97];
	s0 =	simm.s32 @p1 $0x1  }
0x15: {  	[smem:$0x3FB4] =	sst s0;
	s0 =	simm.s32 @!p2 $0x0  }
0x16: {  	s3 =	sld [smem:$0x3FDB];
	s0 =	simm.s32 @p2 $0x1  }
0x17: {  	s4 =	simm.s32 $0x1BF5;
	[smem:$0x3FB6] =	sst s0  }
0x18: {  	s0 =	sld [smem:$0x3F99];
	_ =	swait.ge [sflag:s4], $0x0  }
0x19: {  	s7 =	sld [smem:$0x3F9A]  }
0x1a: {  	s8 =	sadd.s32 $0xFFFFE003, lr  }
0x1b: {  	s9 =	sadd.s32 $0xFFFFFEF7, lr;
	s5 =	simm.s32 $0xFFFFFFFF;
	p2 =	slt.u32 s8, $0xFFFFF086  }
0x1c: {  	p1 =	slt.u32 s9, $0xF7A;
	s5 =	simm.s32 @!p2 $0x0  }
0x1d: {  	s5 =	simm.s32 @p1 $0x1;
	p0 =	seq.s32 s7, s2  }
0x1e: {  	s7 =	smul.u32 @!p0 $0xF7A, s2;
	p2 =	seq.s32 @!p0 s5, $0x0  }
0x1f: {  	s9 =	smul.u32 $0xF7A, s1;
	s8 =	simm.s32 @!p0 $0x1BF5;
	p2 =	por !p2, p0  }
0x20: {  	[sflag:s8] =	ssyncset.s32 @!p0 $0xFFFFF086;
	s6 =	sadd.s32 @!p0 s3, s7;
	s7 =	simm.s32 @!p0 $0x108  }
0x21: {  	s3 =	sadd.s32 s3, s9;
	s6 =	sadd.s32 @!p0 $0x88, s6;
	s7 =	simm.s32 @p2 $0x1082  }
0x22: {  	[simem:s7], [sflag:s8] =	dma.local @!p0 [hbm:s6], $0xF7A  }
0x23: {  	s9 =	sor.u32 $0xD0000000, s2;
	s6 =	simm.s32 $0x108;
	_ =	swait.ge @!p0 [sflag:s8], $0x0  }
0x24: {  	s3 =	sadd.s32 $0x88, s3;
	s6 =	simm.s32 @!p1 $0x1082;
	[sflag:s4] =	ssyncset.s32 $0xFFFFF086  }
0x25: {  	[simem:s6], [sflag:s4] =	dma.local [hbm:s3], $0xF7A  }
0x26: {  	[smem:$0x3F9A] =	sst s1;
	(tag) =	ssettag s2;
	_ =	strace s9  }
0x27: {  	s1 =	sld [smem:$0x3FAA]  }
0x28: {  	s2 =	sld [smem:$0x3FAB]  }
0x29: {  	s4 =	sld [smem:$0x3FAD]  }
0x2a: {  	p0 =	seq.s32 s5, $0x0;
	s5 =	sld [smem:$0x3FAE]  }
0x2b: {  	s6 =	sld [smem:$0x3FAF]  }
0x2c: {  	s7 =	sld [smem:$0x3FB0]  }
0x2d: {  	s3 =	simm.s32 $0x108;
	s8 =	sld [smem:$0x3FB1]  }
0x2e: {  	s3 =	simm.s32 @!p0 $0x1082;
	s9 =	sld [smem:$0x3FB2]  }
0x2f: {  	lr =	sadd.s32 s0, s3;
	s0 =	sld [smem:$0x3FA9]  }
0x30: {  	s3 =	sld [smem:$0x3FAC]  }
0x31: {  	[smem:$0x3FB5] =	sst s10  }
0x32: {  	s10 =	sld [smem:$0x3FB3];
	_ =	sdelay $0x3  }
0x33: {  	p0 =	seq.s32 s10, $0x1;
	s10 =	sld [smem:$0x3FB5];
	_ =	sdelay $0x3  }
0x34: {  	[smem:$0x3FB5] =	sst s10  }
0x35: {  	s10 =	sld [smem:$0x3FB4];
	_ =	sdelay $0x3  }
0x36: {  	p1 =	seq.s32 s10, $0x1;
	s10 =	sld [smem:$0x3FB5];
	_ =	sdelay $0x3  }
0x37: {  	[smem:$0x3FB5] =	sst s10  }
0x38: {  	s10 =	sld [smem:$0x3FB6]  }
0x39: {  	_ = 	snop;
	(pc) =	sbr.ind lr, $3  }
0x3a: {  	_ = 	snop  }
0x3b: {  	_ = 	snop  }
0x3c: {  	p2 =	seq.s32 s10, $0x1;
	s10 =	sld [smem:$0x3FB5]  }
0x3d: {  	_ =	shalt  }
0x3e: {  	_ =	shalt  }
0x3f: {  	_ =	shalt  }
0x40: {  	_ =	shalt  }
0x41: {  	_ =	shalt  }
0x42: {  	_ =	shalt  }
0x43: {  	_ =	shalt  }
0x44: {  	_ =	shalt  }
0x45: {  	_ =	shalt  }
0x46: {  	_ =	shalt  }
0x47: {  	_ =	shalt  }
0x48: {  	_ =	shalt  }
0x49: {  	_ =	shalt  }
0x4a: {  	_ =	shalt  }
0x4b: {  	_ =	shalt  }
0x4c: {  	_ =	shalt  }
0x4d: {  	_ =	shalt  }
0x4e: {  	_ =	shalt  }
0x4f: {  	_ =	shalt  }
0x50: {  	_ =	shalt  }
0x51: {  	_ =	shalt  }
0x52: {  	_ =	shalt  }
0x53: {  	_ =	shalt  }
0x54: {  	_ =	shalt  }
0x55: {  	_ =	shalt  }
0x56: {  	_ =	shalt  }
0x57: {  	_ =	shalt  }
0x58: {  	_ =	shalt  }
0x59: {  	_ =	shalt  }
0x5a: {  	_ =	shalt  }
0x5b: {  	_ =	shalt  }
0x5c: {  	_ =	shalt  }
0x5d: {  	_ =	shalt  }
0x5e: {  	_ =	shalt  }
0x5f: {  	_ =	shalt  }
0x60: {  	_ =	shalt  }
0x61: {  	_ =	shalt  }
0x62: {  	_ =	shalt  }
0x63: {  	_ =	shalt  }
0x64: {  	_ =	shalt  }
0x65: {  	_ =	shalt  }
0x66: {  	_ =	shalt  }
0x67: {  	_ =	shalt  }
0x68: {  	_ =	shalt  }
0x69: {  	_ =	shalt  }
0x6a: {  	_ =	shalt  }
0x6b: {  	_ =	shalt  }
0x6c: {  	_ =	shalt  }
0x6d: {  	_ =	shalt  }
0x6e: {  	_ =	shalt  }
0x6f: {  	_ =	shalt  }
0x70: {  	_ =	shalt  }
0x71: {  	_ =	shalt  }
0x72: {  	_ =	shalt  }
0x73: {  	_ =	shalt  }
0x74: {  	_ =	shalt  }
0x75: {  	_ =	shalt  }
0x76: {  	_ =	shalt  }
0x77: {  	_ =	shalt  }
0x78: {  	_ =	shalt  }
0x79: {  	_ =	shalt  }
0x7a: {  	_ =	shalt  }
0x7b: {  	_ =	shalt  }
0x7c: {  	_ =	shalt  }
0x7d: {  	_ =	shalt  }
0x7e: {  	_ =	shalt  }
0x7f: {  	_ =	shalt  }
0x80: {  	_ =	shalt  }
0x81: {  	_ =	shalt  }
0x82: {  	_ =	shalt  }
0x83: {  	_ =	shalt  }
0x84: {  	_ =	shalt  }
0x85: {  	_ =	shalt  }
0x86: {  	_ =	shalt  }
0x87: {  	_ =	shalt  }
.Lfunc_end0:
.L_simem_size_0:
called_computation.1_lowered:
.L_overlay_start_0:
0x88: {  	s2 =	sld [smem:$0x3FD9]  }
0x89: {  	s3 =	sld [smem:$0x3FFE];
	_ =	sdelay $0x1  }
0x8a: {  	s1 =	srdreg.scid  }
0x8b: {  	s0 =	sand.u32 $0x1, s1  }
0x8c: {  	s17 =	sshll.u32 s0, $0xA;
	s2 =	sadd.s32 s3, s2  }
0x8d: {  	s2 =	sadd.s32 s2, s17  }
0x8e: {  	[smem:$0x3FC1] =	sst s2  }
0x8f: {  	_ = 	snop  }
0x90: {  	s2 =	sld [smem:$0x3FD0];
	(tm) =	ssettm $0x1  }
0x91: {  	s18 =	sld [smem:$0x3FFB];
	_ =	sdelay $0x3  }
0x92: {  	_ =	strace s18  }
0x93: {  	s3 =	sld [smem:$0x3FFC];
	_ =	sdelay $0x3  }
0x94: {  	_ =	strace s3  }
0x95: {  	s3 =	sld [smem:$0x3FFD];
	_ =	sdelay $0x3  }
0x96: {  	_ =	strace s3  }
0x97: {  	_ =	strace $0x8FFFFFFF  }
0x98: {  	s19 =	sld [smem:$0x3FDB];
	_ =	sdelay $0x1  }
0x99: {  	s4 =	simm.s32 $_scs_section_size  }
0x9a: {  	s5 =	simm.s32 $_size__tile_overlayer_lowered;
	s6 =	simm.s32 $_tile_overlayer_lowered  }
0x9b: {  	s22 =	simm.s32 $0x1BFF;
	s21 =	sshll.u32 s6, $0x1;
	s3 =	sadd.s32 s4, s19  }
0x9c: {  	s7 =	simm.s32 $0x0;
	s20 =	sshll.u32 s5, $0x1;
	s5 =	sadd.s32 s21, s3  }
0x9d: {  	[timem:s7], [sflag:s22] =	dma.local [hbm:s5], s20  }
0x9e: {  	_ =	swait.ge [sflag:s22], s20  }
0x9f: {  	s4 =	ssub.s32 $0x0, s20;
	[sflag:s22] =	ssyncset.done $0x0  }
0xa0: {  	[sflag:s22] =	ssyncadd.s32 s4;
	_ =	sdelay $0x1  }
0xa1: {  	s23 =	simm.s32 $0x1B8B  }
0xa2: {  	_ =	swait.ge [sflag:s23], $0x1  }
0xa3: {  	[sflag:s23] =	ssyncset.done $0x0  }
0xa4: {  	s25 =	simm.s32 $0x1B8E;
	s24 =	sld [smem:$0x3FFE];
	[sflag:s23] =	ssyncadd.s32 $0xFFFFFFFF  }
0xa5: {  	s26 =	simm.s32 $execute0_lowered;
	[smem:$0x3FD2] =	sst s25  }
0xa6: {  	s5 =	sshll.u32 s26, $0x1;
	_ =	strace $0x80000049;
	[dreg:$0x1] =	wrdreg $0xFFFFFFFF  }
0xa7: {  	s28 =	simm.s32 $_size_execute0_lowered;
	s3 =	sadd.s32 s3, s5;
	[dreg:$0x0] =	wrdreg $0x0  }
0xa8: {  	s5 =	sshll.u32 s28, $0x1;
	[dreg:$0x2] =	wrdreg s3  }
0xa9: {  	[dreg:$0x3] =	wrdreg s5  }
0xaa: {  	[dreg:$0x4] =	wrdreg $0xC0  }
0xab: {  	_ =	task [dreg:s7], $0x5FFFF  }
0xac: {  	[dreg:$0x1] =	wrdreg $0xFFFFFFFF  }
0xad: {  	[dreg:$0x0] =	wrdreg $0x60  }
0xae: {  	[dreg:$0x2] =	wrdreg s2  }
0xaf: {  	[dreg:$0x3] =	wrdreg s24  }
0xb0: {  	[dreg:$0x4] =	wrdreg $0x0  }
0xb1: {  	[dreg:$0x5] =	wrdreg $0x9  }
0xb2: {  	_ =	task.clear_ibuf [dreg:s7], $0x6FFFF;
	_ =	strace $0x90000049  }
0xb3: {  	s29 =	simm.s32 $0x9;
	_ =	strace $0x8000004B  }
0xb4: {  	_ =	swait.ge [sflag:s29], $0x1  }
0xb5: {  	[sflag:s29] =	ssyncadd.s32 $0xFFFFFFFF  }
0xb6: {  	_ =	strace $0x9000004B  }
0xb7: {  	_ =	sfence  }
0xb8: {  	s30 =	sld [smem:$0x0];
	_ =	sdelay $0x2  }
0xb9: {  	s31 =	sshll.u32 s1, $0xD;
	s1 =	sshrl.u32 s1, $0x2  }
0xba: {  	s3 =	sand.u32 $0x4000, s31;
	s1 =	sadd.s32 s1, s30  }
0xbb: {  	s0 =	sor.u32 s3, s0;
	s1 =	sshll.u32 s1, $0x11  }
0xbc: {  	s0 =	sor.u32 s1, s0  }
0xbd: {  	s0 =	sadd.s32 $0x8F2B, s0  }
0xbe: {  	[sflag:s0] =	ssyncadd.remote.s32 $0x1  }
0xbf: {  	_ =	sfence.sel $0xFFFF  }
0xc0: {  	[dreg:$0x0] =	wrdreg $0xFFFFFFFF;
	(pc) =	sbr.abs _section_cstart, $3  }
0xc1: {  	[dreg:$0x1] =	wrdreg $0xFFFFFFFF  }
0xc2: {  	_ =	task.clear_ibuf [dreg:s7], $0x2FFFF;
	_ =	strace $0x9FFFFFFF  }
0xc3: {  	(tm) =	ssettm $0x7FFFFFFF  }
tec
execute0_lowered:
.L_overlay_start_1:
0x0: {  	(tag) =	ssettag $0x1  }
0x1: {  	s1 =	rddreg [dreg:$0x0]  }
0x2: {  	s2 =	rddreg [dreg:$0x1]  }
0x3: {  	s0 =	srdreg.scid;
	s3 =	rddreg [dreg:$0x2]  }
0x4: {  	s4 =	simm.s32 $0x0;
	s11 =	stileid.u32;
	s20 =	simm.s32 $0x2  }
0x5: {  	s21 =	simm.s32 $0x14000;
	s22 =	simm.s32 $0x80;
	s23 =	simm.s32 $0x14100  }
0x6: {  	s24 =	simm.s32 $0x1;
	s25 =	simm.s32 $0x14080;
	s26 =	simm.s32 $0x0  }
0x7: {  	s0 =	sand.u32 $0x1, s0;
	[smem:$0x7FF] =	sst s4;
	s6 =	smul.u32 $0x50000, s11  }
0x8: {  	s12 =	smul.u32 $0x14000, s11;
	s31 =	sshll.u32 s11, $0x6;
	p0 =	slt.u32 s11, $0x2  }
0x9: {  	s5 =	smul.u32 $0x4E2, s0;
	_ =	strace $0x8000004A;
	s7 =	ssub.s32 $0x2, s0  }
0xa: {  	s0 =	smul.u32 $0x140000, s0;
	s8 =	sshrl.u32 s7, $0x1;
	s6 =	sshrl.u32 s6, $0x2  }
0xb: {  	s13 =	sadd.s32 $0x4000, s12;
	s14 =	sadd.s32 $0x8000, s12;
	s15 =	sadd.s32 $0xC000, s12  }
0xc: {  	s16 =	sadd.s32 $0x10000, s12;
	s5 =	sadd.s32 s11, s5;
	s17 =	ssub.s32 s7, s8  }
0xd: {  	s19 =	sadd.s32 s6, s3;
	s6 =	sor.u32 $0x1C02, s31;
	s7 =	sadd.s32 s13, s3  }
0xe: {  	s8 =	sadd.s32 s14, s3;
	s9 =	sadd.s32 s15, s3;
	s10 =	sadd.s32 s16, s3  }
0xf: {  	s11 =	simm.s32 $0x4F;
	s12 =	sadd.s32 s12, s0;
	s13 =	sadd.s32 s0, s13  }
0x10: {  	s14 =	sadd.s32 s0, s14;
	s15 =	sadd.s32 s0, s15;
	s0 =	sadd.s32 s0, s16  }
0x11: {  	s5 =	sshll.u32 s5, $0x5;
	s11 =	simm.s32 @!p0 $0x4E;
	s12 =	sshrl.u32 s12, $0x3  }
0x12: {  	s13 =	sshrl.u32 s13, $0x3;
	s14 =	sshrl.u32 s14, $0x3;
	s15 =	sshrl.u32 s15, $0x3  }
0x13: {  	s0 =	sshrl.u32 s0, $0x3;
	s17 =	smax.u32 s17, $0x1;
	s19 =	sshrl.u32 s19, $0x3  }
0x14: {  	s18 =	sadd.s32 s5, s2;
	s5 =	sadd.s32 $0x15200, s2;
	s2 =	sadd.s32 $0x15A00, s2  }
0x15: {  	s12 =	sadd.s32 s2, s12;
	s13 =	sadd.s32 s2, s13;
	s14 =	sadd.s32 s2, s14  }
0x16: {  	s15 =	sadd.s32 s2, s15;
	s16 =	sadd.s32 s2, s0;
	s2 =	sadd.s32 $0x1800, s18  }
.LBB2_1:
0x17: {  	[spmem:s19], [sflag:s6] =	dma.local [hbm:s5], $0x800  }
0x18: {  	_ =	swait.ge [sflag:s20], $0x800  }
0x19: {  	[sflag:s20] =	ssyncset.done $0x0  }
0x1a: {  	s28 =	sshrl.u32 s7, $0x3;
	[sflag:s20] =	ssyncadd.s32 $0xFFFFF800  }
0x1b: {  	[spmem:s28], [sflag:s6] =	dma.local [hbm:s5], $0x800  }
0x1c: {  	_ =	swait.ge [sflag:s20], $0x800  }
0x1d: {  	[sflag:s20] =	ssyncset.done $0x0  }
0x1e: {  	s29 =	sshrl.u32 s8, $0x3;
	[sflag:s20] =	ssyncadd.s32 $0xFFFFF800  }
0x1f: {  	[spmem:s29], [sflag:s6] =	dma.local [hbm:s5], $0x800  }
0x20: {  	_ =	swait.ge [sflag:s20], $0x800  }
0x21: {  	[sflag:s20] =	ssyncset.done $0x0  }
0x22: {  	s30 =	sshrl.u32 s9, $0x3;
	[sflag:s20] =	ssyncadd.s32 $0xFFFFF800  }
0x23: {  	[spmem:s30], [sflag:s6] =	dma.local [hbm:s5], $0x800  }
0x24: {  	_ =	swait.ge [sflag:s20], $0x800  }
0x25: {  	[sflag:s20] =	ssyncset.done $0x0  }
0x26: {  	s31 =	sshrl.u32 s10, $0x3;
	[sflag:s20] =	ssyncadd.s32 $0xFFFFF800  }
0x27: {  	[spmem:s31], [sflag:s6] =	dma.local [hbm:s5], $0x800  }
0x28: {  	_ =	swait.ge [sflag:s20], $0x800  }
0x29: {  	[sflag:s20] =	ssyncset.done $0x0  }
0x2a: {  	[sflag:s20] =	ssyncadd.s32 $0xFFFFF800  }
0x2b: {  	[bflag:$0x0] =	sbarrier.arrive $0xFFFF  }
0x2c: {  	[tilespmem:s21], [sflag:$0x2] =	stream.linear.gather [hbm4b:s2+s4], $0x100, $0x38;
	[tilespmem:$0x18100] =	vst v63  }
0x2d: {  	_ =	swait.ge [sflag:s20], $0x100  }
0x2e: {  	[sflag:s20] =	ssyncset.done $0x0  }
0x2f: {  	[sflag:s20] =	ssyncadd.s32 $0xFFFFFF00  }
0x30: {  	[tilespmem:s23], [sflag:$0x1] =	stream.indirect.gather [hbm4b:s1+s22], $0x80, s21, s22, $0xb8;
	[tilespmem:$0x18100] =	vst v63  }
0x31: {  	p0 =	sne.s32 s11, $0x1;
	_ =	swait.ge [sflag:s24], $0x4000  }
.Ltmp0:
0x32: {  	[sflag:s24] =	ssyncset.done $0x0;
	(pc) =	sbr.rel @!p0 .LBB2_3-.Ltmp0, $4  }
0x33: {  	[sflag:s24] =	ssyncadd.s32 $0xFFFFC000  }
0x34: {  	[spmem:s3] =	stream.indirect.scatter.add.f32 [tilespmem:s23], [sflag:$0x2], $0x80, s25, s22, $0xb8;
	[tilespmem:$0x18100] =	vst v63  }
0x35: {  	_ =	swait.ge [sflag:s20], $0x4000  }
0x36: {  	s0 =	sadd.s32 $0xFFFFFFFF, s11;
	s18 =	smov.u32 s2;
	[sflag:s20] =	ssyncset.done $0x0  }
.LBB2_2:
0x37: {  	p0 =	sne.s32 s0, $0x1;
	[sflag:s20] =	ssyncadd.s32 $0xFFFFC000;
	s18 =	sadd.s32 $0x200, s18  }
0x38: {  	[tilespmem:s21], [sflag:$0x2] =	stream.linear.gather [hbm4b:s18+s4], $0x100, $0x38;
	[tilespmem:$0x18100] =	vst v63  }
0x39: {  	s0 =	sadd.s32 $0xFFFFFFFF, s0;
	_ =	swait.ge [sflag:s20], $0x100  }
0x3a: {  	[sflag:s20] =	ssyncset.done $0x0  }
0x3b: {  	[sflag:s20] =	ssyncadd.s32 $0xFFFFFF00  }
0x3c: {  	[tilespmem:s23], [sflag:$0x1] =	stream.indirect.gather [hbm4b:s1+s22], $0x80, s21, s22, $0xb8;
	[tilespmem:$0x18100] =	vst v63  }
0x3d: {  	_ =	swait.ge [sflag:s24], $0x4000  }
.Ltmp1:
0x3e: {  	[sflag:s24] =	ssyncset.done $0x0;
	(pc) =	sbr.rel @p0 .LBB2_2-.Ltmp1, $4  }
0x3f: {  	[sflag:s24] =	ssyncadd.s32 $0xFFFFC000  }
0x40: {  	[spmem:s3] =	stream.indirect.scatter.add.f32 [tilespmem:s23], [sflag:$0x2], $0x80, s25, s22, $0xb8;
	[tilespmem:$0x18100] =	vst v63  }
0x41: {  	_ =	swait.ge [sflag:s20], $0x4000  }
0x42: {  	[sflag:s20] =	ssyncset.done $0x0  }
.LBB2_3:
0x43: {  	[sflag:s20] =	ssyncadd.s32 $0xFFFFC000  }
0x44: {  	[bflag:$0x0] =	sbarrier.arrive $0xFFFF  }
0x45: {  	[hbm:s12], [sflag:s6] =	dma.local [spmem:s19], $0x800  }
0x46: {  	_ =	swait.ge [sflag:s20], $0x800  }
0x47: {  	[sflag:s20] =	ssyncset.done $0x0  }
0x48: {  	[sflag:s20] =	ssyncadd.s32 $0xFFFFF800  }
0x49: {  	[hbm:s13], [sflag:s6] =	dma.local [spmem:s28], $0x800  }
0x4a: {  	_ =	swait.ge [sflag:s20], $0x800  }
0x4b: {  	[sflag:s20] =	ssyncset.done $0x0  }
0x4c: {  	[sflag:s20] =	ssyncadd.s32 $0xFFFFF800  }
0x4d: {  	[hbm:s14], [sflag:s6] =	dma.local [spmem:s29], $0x800  }
0x4e: {  	_ =	swait.ge [sflag:s20], $0x800  }
0x4f: {  	[sflag:s20] =	ssyncset.done $0x0  }
0x50: {  	[sflag:s20] =	ssyncadd.s32 $0xFFFFF800  }
0x51: {  	[hbm:s15], [sflag:s6] =	dma.local [spmem:s30], $0x800  }
0x52: {  	s26 =	sadd.s32 $0x1, s26;
	_ =	swait.ge [sflag:s20], $0x800  }
0x53: {  	p0 =	sne.s32 s26, s17;
	[sflag:s20] =	ssyncset.done $0x0  }
.Ltmp2:
0x54: {  	[sflag:s20] =	ssyncadd.s32 $0xFFFFF800;
	(pc) =	sbr.rel @p0 .LBB2_1-.Ltmp2, $4  }
0x55: {  	[hbm:s16], [sflag:s6] =	dma.local [spmem:s31], $0x800  }
0x56: {  	_ =	swait.ge [sflag:s20], $0x800  }
0x57: {  	[sflag:s20] =	ssyncset.done $0x0  }
0x58: {  	[sflag:s20] =	ssyncadd.s32 $0xFFFFF800  }
0x59: {  	_ =	sfence.sel $0x180000  }
0x5a: {  	[bflag:$0x0] =	sbarrier.arrive $0xFFFF  }
0x5b: {  	_ =	strace $0x9000004A  }
0x5c: {  	s0 =	stileid.u32;
	[bflag:$0x2] =	sbarrier.arrive $0xFFFF  }
0x5d: {  	p0 =	sne.s32 s0, $0x0;
	s0 =	rddreg [dreg:$0x3]  }
0x5e: {  	s0 =	sadd.s32 @!p0 $0x100000, s0  }
0x5f: {  	[sflag:s0] =	ssyncadd.tile.s32 @!p0 $0x1;
	_ =	shalt  }
.Lfunc_end2:
_tile_overlayer_lowered:
.L_overlay_start_2:
0x60: {  	(tag) =	ssettag $0x2  }
0x61: {  	s0 =	rddreg [dreg:$0x0];
	s2 =	stileid.u32  }
0x62: {  	s1 =	rddreg [dreg:$0x1];
	p0 =	sne.s32 s2, $0x0  }
0x63: {  	s3 =	rddreg [dreg:$0x2];
	[bflag:$0x3] =	sbarrier.arrive $0xFFFF;
	s2 =	simm.s32 @!p0 $0x1C02  }
0x64: {  	[timem:s3], [sflag:s2] =	dma.local @!p0 [hbm:s0], s1  }
0x65: {  	s0 =	simm.s32 @!p0 $0x2  }
0x66: {  	_ =	swait.ge @!p0 [sflag:s0], s1  }
0x67: {  	s1 =	ssub.s32 @!p0 $0x0, s1;
	[sflag:s0] =	ssyncset.done @!p0 $0x0  }
0x68: {  	[sflag:s0] =	ssyncadd.s32 @!p0 s1  }
0x69: {  	[bflag:$0x3] =	sbarrier.arrive $0xFFFF  }
0x6a: {  	_ =	shalt  }

// kernel: edge_agg_cids.3.cloned.1.call-start
scs
__scs_entry_jumppad:
0x0: {  	(pc) =	sbr.rel $0x88, $3  }
0x1: {  	(tag) =	ssettag $0x0;
	lr =	simm.s32 $0x1  }
0x2: {  	[smem:$0x3F9A] =	sst lr;
	_ =	strace $0xD0000000  }
0x3: {  	_ = 	snop  }
0x4: {  	_ = 	snop  }
0x5: {  	_ = 	snop  }
0x6: {  	_ = 	snop  }
0x7: {  	_ = 	snop  }
__scs_overlays_trampoline_lowered:
0x8: {  	[smem:$0x3FA9] =	sst s0  }
0x9: {  	[smem:$0x3FAA] =	sst s1  }
0xa: {  	[smem:$0x3FAB] =	sst s2  }
0xb: {  	[smem:$0x3FAC] =	sst s3  }
0xc: {  	[smem:$0x3FAD] =	sst s4  }
0xd: {  	[smem:$0x3FAE] =	sst s5  }
0xe: {  	[smem:$0x3FAF] =	sst s6  }
0xf: {  	[smem:$0x3FB0] =	sst s7  }
0x10: {  	[smem:$0x3FB1] =	sst s8  }
0x11: {  	[smem:$0x3FB2] =	sst s9;
	s0 =	simm.s32 @!p0 $0x0  }
0x12: {  	s1 =	sld [smem:$0x3F98];
	s0 =	simm.s32 @p0 $0x1  }
0x13: {  	[smem:$0x3FB3] =	sst s0;
	s0 =	simm.s32 @!p1 $0x0  }
0x14: {  	s2 =	sld [smem:$0x3F97];
	s0 =	simm.s32 @p1 $0x1  }
0x15: {  	[smem:$0x3FB4] =	sst s0;
	s0 =	simm.s32 @!p2 $0x0  }
0x16: {  	s3 =	sld [smem:$0x3FDB];
	s0 =	simm.s32 @p2 $0x1  }
0x17: {  	s4 =	simm.s32 $0x1BF5;
	[smem:$0x3FB6] =	sst s0  }
0x18: {  	s0 =	sld [smem:$0x3F99];
	_ =	swait.ge [sflag:s4], $0x0  }
0x19: {  	s7 =	sld [smem:$0x3F9A]  }
0x1a: {  	s8 =	sadd.s32 $0xFFFFE003, lr  }
0x1b: {  	s9 =	sadd.s32 $0xFFFFFEF7, lr;
	s5 =	simm.s32 $0xFFFFFFFF;
	p2 =	slt.u32 s8, $0xFFFFF086  }
0x1c: {  	p1 =	slt.u32 s9, $0xF7A;
	s5 =	simm.s32 @!p2 $0x0  }
0x1d: {  	s5 =	simm.s32 @p1 $0x1;
	p0 =	seq.s32 s7, s2  }
0x1e: {  	s7 =	smul.u32 @!p0 $0xF7A, s2;
	p2 =	seq.s32 @!p0 s5, $0x0  }
0x1f: {  	s9 =	smul.u32 $0xF7A, s1;
	s8 =	simm.s32 @!p0 $0x1BF5;
	p2 =	por !p2, p0  }
0x20: {  	[sflag:s8] =	ssyncset.s32 @!p0 $0xFFFFF086;
	s6 =	sadd.s32 @!p0 s3, s7;
	s7 =	simm.s32 @!p0 $0x108  }
0x21: {  	s3 =	sadd.s32 s3, s9;
	s6 =	sadd.s32 @!p0 $0x88, s6;
	s7 =	simm.s32 @p2 $0x1082  }
0x22: {  	[simem:s7], [sflag:s8] =	dma.local @!p0 [hbm:s6], $0xF7A  }
0x23: {  	s9 =	sor.u32 $0xD0000000, s2;
	s6 =	simm.s32 $0x108;
	_ =	swait.ge @!p0 [sflag:s8], $0x0  }
0x24: {  	s3 =	sadd.s32 $0x88, s3;
	s6 =	simm.s32 @!p1 $0x1082;
	[sflag:s4] =	ssyncset.s32 $0xFFFFF086  }
0x25: {  	[simem:s6], [sflag:s4] =	dma.local [hbm:s3], $0xF7A  }
0x26: {  	[smem:$0x3F9A] =	sst s1;
	(tag) =	ssettag s2;
	_ =	strace s9  }
0x27: {  	s1 =	sld [smem:$0x3FAA]  }
0x28: {  	s2 =	sld [smem:$0x3FAB]  }
0x29: {  	s4 =	sld [smem:$0x3FAD]  }
0x2a: {  	p0 =	seq.s32 s5, $0x0;
	s5 =	sld [smem:$0x3FAE]  }
0x2b: {  	s6 =	sld [smem:$0x3FAF]  }
0x2c: {  	s7 =	sld [smem:$0x3FB0]  }
0x2d: {  	s3 =	simm.s32 $0x108;
	s8 =	sld [smem:$0x3FB1]  }
0x2e: {  	s3 =	simm.s32 @!p0 $0x1082;
	s9 =	sld [smem:$0x3FB2]  }
0x2f: {  	lr =	sadd.s32 s0, s3;
	s0 =	sld [smem:$0x3FA9]  }
0x30: {  	s3 =	sld [smem:$0x3FAC]  }
0x31: {  	[smem:$0x3FB5] =	sst s10  }
0x32: {  	s10 =	sld [smem:$0x3FB3];
	_ =	sdelay $0x3  }
0x33: {  	p0 =	seq.s32 s10, $0x1;
	s10 =	sld [smem:$0x3FB5];
	_ =	sdelay $0x3  }
0x34: {  	[smem:$0x3FB5] =	sst s10  }
0x35: {  	s10 =	sld [smem:$0x3FB4];
	_ =	sdelay $0x3  }
0x36: {  	p1 =	seq.s32 s10, $0x1;
	s10 =	sld [smem:$0x3FB5];
	_ =	sdelay $0x3  }
0x37: {  	[smem:$0x3FB5] =	sst s10  }
0x38: {  	s10 =	sld [smem:$0x3FB6]  }
0x39: {  	_ = 	snop;
	(pc) =	sbr.ind lr, $3  }
0x3a: {  	_ = 	snop  }
0x3b: {  	_ = 	snop  }
0x3c: {  	p2 =	seq.s32 s10, $0x1;
	s10 =	sld [smem:$0x3FB5]  }
0x3d: {  	_ =	shalt  }
0x3e: {  	_ =	shalt  }
0x3f: {  	_ =	shalt  }
0x40: {  	_ =	shalt  }
0x41: {  	_ =	shalt  }
0x42: {  	_ =	shalt  }
0x43: {  	_ =	shalt  }
0x44: {  	_ =	shalt  }
0x45: {  	_ =	shalt  }
0x46: {  	_ =	shalt  }
0x47: {  	_ =	shalt  }
0x48: {  	_ =	shalt  }
0x49: {  	_ =	shalt  }
0x4a: {  	_ =	shalt  }
0x4b: {  	_ =	shalt  }
0x4c: {  	_ =	shalt  }
0x4d: {  	_ =	shalt  }
0x4e: {  	_ =	shalt  }
0x4f: {  	_ =	shalt  }
0x50: {  	_ =	shalt  }
0x51: {  	_ =	shalt  }
0x52: {  	_ =	shalt  }
0x53: {  	_ =	shalt  }
0x54: {  	_ =	shalt  }
0x55: {  	_ =	shalt  }
0x56: {  	_ =	shalt  }
0x57: {  	_ =	shalt  }
0x58: {  	_ =	shalt  }
0x59: {  	_ =	shalt  }
0x5a: {  	_ =	shalt  }
0x5b: {  	_ =	shalt  }
0x5c: {  	_ =	shalt  }
0x5d: {  	_ =	shalt  }
0x5e: {  	_ =	shalt  }
0x5f: {  	_ =	shalt  }
0x60: {  	_ =	shalt  }
0x61: {  	_ =	shalt  }
0x62: {  	_ =	shalt  }
0x63: {  	_ =	shalt  }
0x64: {  	_ =	shalt  }
0x65: {  	_ =	shalt  }
0x66: {  	_ =	shalt  }
0x67: {  	_ =	shalt  }
0x68: {  	_ =	shalt  }
0x69: {  	_ =	shalt  }
0x6a: {  	_ =	shalt  }
0x6b: {  	_ =	shalt  }
0x6c: {  	_ =	shalt  }
0x6d: {  	_ =	shalt  }
0x6e: {  	_ =	shalt  }
0x6f: {  	_ =	shalt  }
0x70: {  	_ =	shalt  }
0x71: {  	_ =	shalt  }
0x72: {  	_ =	shalt  }
0x73: {  	_ =	shalt  }
0x74: {  	_ =	shalt  }
0x75: {  	_ =	shalt  }
0x76: {  	_ =	shalt  }
0x77: {  	_ =	shalt  }
0x78: {  	_ =	shalt  }
0x79: {  	_ =	shalt  }
0x7a: {  	_ =	shalt  }
0x7b: {  	_ =	shalt  }
0x7c: {  	_ =	shalt  }
0x7d: {  	_ =	shalt  }
0x7e: {  	_ =	shalt  }
0x7f: {  	_ =	shalt  }
0x80: {  	_ =	shalt  }
0x81: {  	_ =	shalt  }
0x82: {  	_ =	shalt  }
0x83: {  	_ =	shalt  }
0x84: {  	_ =	shalt  }
0x85: {  	_ =	shalt  }
0x86: {  	_ =	shalt  }
0x87: {  	_ =	shalt  }
.Lfunc_end0:
.L_simem_size_0:
called_computation_lowered:
.L_overlay_start_0:
0x88: {  	s2 =	sld [smem:$0x3FD9]  }
0x89: {  	s3 =	sld [smem:$0x3FFE];
	_ =	sdelay $0x1  }
0x8a: {  	s1 =	srdreg.scid  }
0x8b: {  	s0 =	sand.u32 $0x1, s1  }
0x8c: {  	s17 =	sshll.u32 s0, $0xA;
	s2 =	sadd.s32 s3, s2  }
0x8d: {  	s2 =	sadd.s32 s2, s17  }
0x8e: {  	[smem:$0x3FC1] =	sst s2  }
0x8f: {  	_ = 	snop  }
0x90: {  	s2 =	sld [smem:$0x3FC9]  }
0x91: {  	s18 =	sld [smem:$0x3FC7];
	(tm) =	ssettm $0x1  }
0x92: {  	s4 =	sld [smem:$0x3FFB];
	_ =	sdelay $0x3  }
0x93: {  	_ =	strace s4  }
0x94: {  	s4 =	sld [smem:$0x3FFC];
	_ =	sdelay $0x3  }
0x95: {  	_ =	strace s4  }
0x96: {  	s4 =	sld [smem:$0x3FFD];
	_ =	sdelay $0x3  }
0x97: {  	_ =	strace s4  }
0x98: {  	_ =	strace $0x8FFFFFFF  }
0x99: {  	s19 =	sld [smem:$0x3FDB];
	_ =	sdelay $0x1  }
0x9a: {  	s5 =	simm.s32 $_scs_section_size  }
0x9b: {  	s6 =	simm.s32 $_size__tile_overlayer_lowered;
	s7 =	simm.s32 $_tile_overlayer_lowered  }
0x9c: {  	s22 =	simm.s32 $0x1BFF;
	s21 =	sshll.u32 s7, $0x1;
	s4 =	sadd.s32 s5, s19  }
0x9d: {  	s8 =	simm.s32 $0x0;
	s20 =	sshll.u32 s6, $0x1;
	s6 =	sadd.s32 s21, s4  }
0x9e: {  	[timem:s8], [sflag:s22] =	dma.local [hbm:s6], s20  }
0x9f: {  	_ =	swait.ge [sflag:s22], s20  }
0xa0: {  	s5 =	ssub.s32 $0x0, s20;
	[sflag:s22] =	ssyncset.done $0x0  }
0xa1: {  	[sflag:s22] =	ssyncadd.s32 s5;
	_ =	sdelay $0x1  }
0xa2: {  	s23 =	simm.s32 $0x1B8B  }
0xa3: {  	_ =	swait.ge [sflag:s23], $0x1  }
0xa4: {  	[sflag:s23] =	ssyncset.done $0x0  }
0xa5: {  	s25 =	simm.s32 $0x1B8E;
	s24 =	sld [smem:$0x3FFE];
	[sflag:s23] =	ssyncadd.s32 $0xFFFFFFFF  }
0xa6: {  	s26 =	simm.s32 $execute0_lowered;
	[smem:$0x3FD2] =	sst s25  }
0xa7: {  	s6 =	sshll.u32 s26, $0x1;
	_ =	strace $0x80000046;
	[dreg:$0x1] =	wrdreg $0xFFFFFFFF  }
0xa8: {  	s28 =	simm.s32 $_size_execute0_lowered;
	s4 =	sadd.s32 s4, s6;
	[dreg:$0x0] =	wrdreg $0x0  }
0xa9: {  	s6 =	sshll.u32 s28, $0x1;
	[dreg:$0x2] =	wrdreg s4  }
0xaa: {  	[dreg:$0x3] =	wrdreg s6  }
0xab: {  	[dreg:$0x4] =	wrdreg $0xC0  }
0xac: {  	_ =	task [dreg:s8], $0x5FFFF  }
0xad: {  	[dreg:$0x1] =	wrdreg $0xFFFFFFFF  }
0xae: {  	[dreg:$0x0] =	wrdreg $0x60  }
0xaf: {  	[dreg:$0x2] =	wrdreg s18  }
0xb0: {  	[dreg:$0x3] =	wrdreg s24  }
0xb1: {  	[dreg:$0x4] =	wrdreg s2  }
0xb2: {  	[dreg:$0x5] =	wrdreg $0x0  }
0xb3: {  	[dreg:$0x6] =	wrdreg $0x9  }
0xb4: {  	_ =	task.clear_ibuf [dreg:s8], $0x7FFFF;
	_ =	strace $0x90000046  }
0xb5: {  	s29 =	simm.s32 $0x9;
	_ =	strace $0x80000048  }
0xb6: {  	_ =	swait.ge [sflag:s29], $0x1  }
0xb7: {  	[sflag:s29] =	ssyncadd.s32 $0xFFFFFFFF  }
0xb8: {  	_ =	strace $0x90000048  }
0xb9: {  	_ =	sfence  }
0xba: {  	s30 =	sld [smem:$0x0];
	_ =	sdelay $0x2  }
0xbb: {  	s31 =	sshll.u32 s1, $0xD;
	s1 =	sshrl.u32 s1, $0x2  }
0xbc: {  	s3 =	sand.u32 $0x4000, s31;
	s1 =	sadd.s32 s1, s30  }
0xbd: {  	s0 =	sor.u32 s3, s0;
	s1 =	sshll.u32 s1, $0x11  }
0xbe: {  	s0 =	sor.u32 s1, s0  }
0xbf: {  	s0 =	sadd.s32 $0x8F2B, s0  }
0xc0: {  	[sflag:s0] =	ssyncadd.remote.s32 $0x1  }
0xc1: {  	_ =	sfence.sel $0xFFFF  }
0xc2: {  	[dreg:$0x0] =	wrdreg $0xFFFFFFFF;
	(pc) =	sbr.abs _section_cstart, $3  }
0xc3: {  	[dreg:$0x1] =	wrdreg $0xFFFFFFFF  }
0xc4: {  	_ =	task.clear_ibuf [dreg:s8], $0x2FFFF;
	_ =	strace $0x9FFFFFFF  }
0xc5: {  	(tm) =	ssettm $0x7FFFFFFF  }
tec
execute0_lowered:
.L_overlay_start_1:
0x0: {  	(tag) =	ssettag $0x1  }
0x1: {  	s1 =	rddreg [dreg:$0x0]  }
0x2: {  	s0 =	rddreg [dreg:$0x1]  }
0x3: {  	s2 =	srdreg.scid;
	s3 =	rddreg [dreg:$0x3];
	s5 =	simm.s32 $0x0  }
0x4: {  	s13 =	stileid.u32;
	s21 =	simm.s32 $0x2;
	s22 =	simm.s32 $0x14000  }
0x5: {  	s28 =	simm.s32 $0x1;
	s29 =	simm.s32 $0x16800;
	s30 =	simm.s32 $0x0  }
0x6: {  	s2 =	sand.u32 $0x1, s2;
	[smem:$0x7FF] =	sst s5;
	s8 =	smul.u32 $0x50000, s13  }
0x7: {  	s10 =	smul.u32 $0x14000, s13;
	s6 =	sadd.s32 $0x15200, s0;
	s23 =	sshll.u32 s13, $0x6  }
0x8: {  	p0 =	slt.u32 s13, $0x2;
	s4 =	smul.u32 $0x4E2, s2;
	s7 =	ssub.s32 $0x2, s2  }
0x9: {  	_ =	strace $0x80000047;
	s2 =	smul.u32 $0x140000, s2;
	s9 =	sshrl.u32 s7, $0x1  }
0xa: {  	s8 =	sshrl.u32 s8, $0x2;
	s14 =	sadd.s32 $0x4000, s10;
	s25 =	sadd.s32 $0x8000, s10  }
0xb: {  	s16 =	sadd.s32 $0xC000, s10;
	s17 =	sadd.s32 $0x10000, s10;
	s4 =	sadd.s32 s13, s4  }
0xc: {  	s7 =	ssub.s32 s7, s9;
	s8 =	sadd.s32 s8, s3;
	s24 =	sadd.s32 s14, s3  }
0xd: {  	s11 =	sadd.s32 s25, s3;
	s12 =	sadd.s32 s17, s3;
	s10 =	sadd.s32 s10, s2  }
0xe: {  	s13 =	simm.s32 $0x4F;
	s15 =	sadd.s32 s2, s14;
	s9 =	sadd.s32 s2, s25  }
0xf: {  	s31 =	sadd.s32 s2, s16;
	s2 =	sadd.s32 s2, s17;
	[dreg:$0x5] =	wrdreg s8  }
0x10: {  	s25 =	simm.s32 $0x16880;
	s4 =	sshll.u32 s4, $0x5;
	[dreg:$0x6] =	wrdreg s24  }
0x11: {  	s8 =	sor.u32 $0x1C02, s23;
	[dreg:$0x7] =	wrdreg s11;
	s11 =	sadd.s32 s16, s3  }
0x12: {  	s10 =	sshrl.u32 s10, $0x3;
	s13 =	simm.s32 @!p0 $0x4E;
	s26 =	sshrl.u32 s15, $0x3  }
0x13: {  	s9 =	sshrl.u32 s9, $0x3;
	s2 =	sshrl.u32 s2, $0x3;
	s19 =	smax.u32 s7, $0x1  }
0x14: {  	s23 =	simm.s32 $0x16780;
	s4 =	sadd.s32 s4, s0;
	s0 =	sadd.s32 $0x15A00, s0  }
0x15: {  	s24 =	simm.s32 $0x80;
	s14 =	sadd.s32 s0, s10;
	s15 =	sadd.s32 s0, s26  }
0x16: {  	s10 =	sshrl.u32 s31, $0x3;
	s16 =	sadd.s32 s0, s9;
	s18 =	sadd.s32 s0, s2  }
0x17: {  	s26 =	simm.s32 $0x16900;
	s17 =	sadd.s32 s0, s10;
	s10 =	sadd.s32 $0x1800, s4  }
.LBB2_1:
0x18: {  	s0 =	rddreg [dreg:$0x5]  }
0x19: {  	s31 =	sshrl.u32 s0, $0x3  }
0x1a: {  	[spmem:s31], [sflag:s8] =	dma.local [hbm:s6], $0x800  }
0x1b: {  	_ =	swait.ge [sflag:s21], $0x800  }
0x1c: {  	[sflag:s21] =	ssyncset.done $0x0;
	s20 =	rddreg [dreg:$0x6]  }
0x1d: {  	[sflag:s21] =	ssyncadd.s32 $0xFFFFF800;
	s0 =	sshrl.u32 s20, $0x3  }
0x1e: {  	[spmem:s0], [sflag:s8] =	dma.local [hbm:s6], $0x800  }
0x1f: {  	_ =	swait.ge [sflag:s21], $0x800  }
0x20: {  	[sflag:s21] =	ssyncset.done $0x0;
	s2 =	rddreg [dreg:$0x7]  }
0x21: {  	[sflag:s21] =	ssyncadd.s32 $0xFFFFF800;
	s4 =	sshrl.u32 s2, $0x3  }
0x22: {  	[spmem:s4], [sflag:s8] =	dma.local [hbm:s6], $0x800  }
0x23: {  	_ =	swait.ge [sflag:s21], $0x800  }
0x24: {  	[sflag:s21] =	ssyncset.done $0x0  }
0x25: {  	s2 =	sshrl.u32 s11, $0x3;
	[sflag:s21] =	ssyncadd.s32 $0xFFFFF800  }
0x26: {  	[spmem:s2], [sflag:s8] =	dma.local [hbm:s6], $0x800  }
0x27: {  	_ =	swait.ge [sflag:s21], $0x800  }
0x28: {  	[sflag:s21] =	ssyncset.done $0x0  }
0x29: {  	s7 =	sshrl.u32 s12, $0x3;
	[sflag:s21] =	ssyncadd.s32 $0xFFFFF800  }
0x2a: {  	[spmem:s7], [sflag:s8] =	dma.local [hbm:s6], $0x800  }
0x2b: {  	_ =	swait.ge [sflag:s21], $0x800  }
0x2c: {  	[sflag:s21] =	ssyncset.done $0x0  }
0x2d: {  	[sflag:s21] =	ssyncadd.s32 $0xFFFFF800  }
0x2e: {  	s9 =	rddreg [dreg:$0x2]  }
0x2f: {  	[tilespmem:s22], [sflag:$0x2] =	stream.linear.gather [hbm4b:s9+s5], $0x2780, $0x38;
	[tilespmem:$0x1A900] =	vst v63  }
0x30: {  	_ =	swait.ge [sflag:s21], $0x2780  }
0x31: {  	[sflag:s21] =	ssyncset.done $0x0  }
0x32: {  	[sflag:s21] =	ssyncadd.s32 $0xFFFFD880  }
0x33: {  	[bflag:$0x0] =	sbarrier.arrive $0xFFFF  }
0x34: {  	[tilespmem:s23], [sflag:$0x2] =	stream.linear.gather [hbm4b:s10+s5], $0x100, $0x38;
	[tilespmem:$0x1A900] =	vst v63  }
0x35: {  	_ =	swait.ge [sflag:s21], $0x100  }
0x36: {  	[sflag:s21] =	ssyncset.done $0x0  }
0x37: {  	[sflag:s21] =	ssyncadd.s32 $0xFFFFFF00  }
0x38: {  	v0 =	vld [tilespmem:$0x16780];
	_ =	sdelay $0x5  }
0x39: {  	v1 =	vld [tilespmem:$0x16790];
	_ =	sdelay $0x1  }
0x3a: {  	v0 =	vld.idx.msk [tilespmem:v0+s22+$0x0], $0xffff;
	_ =	sdelay $0x3  }
0x3b: {  	v2 =	vld [tilespmem:$0x167A0]  }
0x3c: {  	[tilespmem:$0x16880] =	vst v0  }
0x3d: {  	v0 =	vld.idx.msk [tilespmem:v1+s22+$0x0], $0xffff;
	_ =	sdelay $0x3  }
0x3e: {  	v59 =	vld [tilespmem:$0x167B0]  }
0x3f: {  	[tilespmem:$0x16890] =	vst v0  }
0x40: {  	v0 =	vld.idx.msk [tilespmem:v2+s22+$0x0], $0xffff;
	_ =	sdelay $0x3  }
0x41: {  	v60 =	vld [tilespmem:$0x167C0]  }
0x42: {  	[tilespmem:$0x168A0] =	vst v0  }
0x43: {  	v0 =	vld.idx.msk [tilespmem:v59+s22+$0x0], $0xffff;
	_ =	sdelay $0x3  }
0x44: {  	v61 =	vld [tilespmem:$0x167D0]  }
0x45: {  	[tilespmem:$0x168B0] =	vst v0  }
0x46: {  	v0 =	vld.idx.msk [tilespmem:v60+s22+$0x0], $0xffff;
	_ =	sdelay $0x3  }
0x47: {  	v62 =	vld [tilespmem:$0x167E0]  }
0x48: {  	[tilespmem:$0x168C0] =	vst v0  }
0x49: {  	v0 =	vld.idx.msk [tilespmem:v61+s22+$0x0], $0xffff;
	_ =	sdelay $0x3  }
0x4a: {  	v63 =	vld [tilespmem:$0x167F0]  }
0x4b: {  	[tilespmem:$0x168D0] =	vst v0  }
0x4c: {  	v0 =	vld.idx.msk [tilespmem:v62+s22+$0x0], $0xffff;
	_ =	sdelay $0x4  }
0x4d: {  	[tilespmem:$0x168E0] =	vst v0  }
0x4e: {  	v0 =	vld.idx.msk [tilespmem:v63+s22+$0x0], $0xffff;
	_ =	sdelay $0x4  }
0x4f: {  	[tilespmem:$0x168F0] =	vst v0  }
0x50: {  	[tilespmem:s26], [sflag:$0x1] =	stream.indirect.gather [hbm4b:s1+s24], $0x80, s25, s24, $0xb8;
	[tilespmem:$0x1A900] =	vst v63  }
0x51: {  	p0 =	sne.s32 s13, $0x1;
	_ =	swait.ge [sflag:s28], $0x4000  }
.Ltmp0:
0x52: {  	[sflag:s28] =	ssyncset.done $0x0;
	(pc) =	sbr.rel @!p0 .LBB2_3-.Ltmp0, $4  }
0x53: {  	[sflag:s28] =	ssyncadd.s32 $0xFFFFC000  }
0x54: {  	[spmem:s3] =	stream.indirect.scatter.add.f32 [tilespmem:s26], [sflag:$0x2], $0x80, s29, s24, $0xb8;
	[tilespmem:$0x1A900] =	vst v63  }
0x55: {  	_ =	swait.ge [sflag:s21], $0x4000  }
0x56: {  	s20 =	smov.u32 s10;
	s9 =	sadd.s32 $0xFFFFFFFF, s13;
	[sflag:s21] =	ssyncset.done $0x0  }
.LBB2_2:
0x57: {  	p0 =	sne.s32 s9, $0x1;
	[sflag:s21] =	ssyncadd.s32 $0xFFFFC000;
	s20 =	sadd.s32 $0x200, s20  }
0x58: {  	[tilespmem:s23], [sflag:$0x2] =	stream.linear.gather [hbm4b:s20+s5], $0x100, $0x38;
	[tilespmem:$0x1A900] =	vst v63  }
0x59: {  	s9 =	sadd.s32 $0xFFFFFFFF, s9;
	_ =	swait.ge [sflag:s21], $0x100  }
0x5a: {  	[sflag:s21] =	ssyncset.done $0x0  }
0x5b: {  	[sflag:s21] =	ssyncadd.s32 $0xFFFFFF00  }
0x5c: {  	v0 =	vld [tilespmem:$0x16780];
	_ =	sdelay $0x6  }
0x5d: {  	v1 =	vld [tilespmem:$0x16790]  }
0x5e: {  	v0 =	vld.idx.msk [tilespmem:v0+s22+$0x0], $0xffff;
	_ =	sdelay $0x5  }
0x5f: {  	[tilespmem:$0x16880] =	vst v0;
	v0 =	vld [tilespmem:$0x167A0]  }
0x60: {  	v1 =	vld.idx.msk [tilespmem:v1+s22+$0x0], $0xffff;
	_ =	sdelay $0x5  }
0x61: {  	[tilespmem:$0x16890] =	vst v1;
	v1 =	vld [tilespmem:$0x167B0]  }
0x62: {  	v0 =	vld.idx.msk [tilespmem:v0+s22+$0x0], $0xffff;
	_ =	sdelay $0x5  }
0x63: {  	[tilespmem:$0x168A0] =	vst v0;
	v0 =	vld [tilespmem:$0x167C0]  }
0x64: {  	v1 =	vld.idx.msk [tilespmem:v1+s22+$0x0], $0xffff;
	_ =	sdelay $0x5  }
0x65: {  	[tilespmem:$0x168B0] =	vst v1;
	v1 =	vld [tilespmem:$0x167D0]  }
0x66: {  	v0 =	vld.idx.msk [tilespmem:v0+s22+$0x0], $0xffff;
	_ =	sdelay $0x5  }
0x67: {  	[tilespmem:$0x168C0] =	vst v0;
	v0 =	vld [tilespmem:$0x167E0]  }
0x68: {  	v1 =	vld.idx.msk [tilespmem:v1+s22+$0x0], $0xffff;
	_ =	sdelay $0x5  }
0x69: {  	[tilespmem:$0x168D0] =	vst v1;
	v1 =	vld [tilespmem:$0x167F0]  }
0x6a: {  	v0 =	vld.idx.msk [tilespmem:v0+s22+$0x0], $0xffff;
	_ =	sdelay $0x5  }
0x6b: {  	[tilespmem:$0x168E0] =	vst v0  }
0x6c: {  	v0 =	vld.idx.msk [tilespmem:v1+s22+$0x0], $0xffff;
	_ =	sdelay $0x5  }
0x6d: {  	[tilespmem:$0x168F0] =	vst v0  }
0x6e: {  	[tilespmem:s26], [sflag:$0x1] =	stream.indirect.gather [hbm4b:s1+s24], $0x80, s25, s24, $0xb8;
	[tilespmem:$0x1A900] =	vst v63  }
0x6f: {  	_ =	swait.ge [sflag:s28], $0x4000  }
.Ltmp1:
0x70: {  	[sflag:s28] =	ssyncset.done $0x0;
	(pc) =	sbr.rel @p0 .LBB2_2-.Ltmp1, $4  }
0x71: {  	[sflag:s28] =	ssyncadd.s32 $0xFFFFC000  }
0x72: {  	[spmem:s3] =	stream.indirect.scatter.add.f32 [tilespmem:s26], [sflag:$0x2], $0x80, s29, s24, $0xb8;
	[tilespmem:$0x1A900] =	vst v63  }
0x73: {  	_ =	swait.ge [sflag:s21], $0x4000  }
0x74: {  	[sflag:s21] =	ssyncset.done $0x0  }
.LBB2_3:
0x75: {  	[sflag:s21] =	ssyncadd.s32 $0xFFFFC000  }
0x76: {  	[bflag:$0x0] =	sbarrier.arrive $0xFFFF  }
0x77: {  	[hbm:s14], [sflag:s8] =	dma.local [spmem:s31], $0x800  }
0x78: {  	_ =	swait.ge [sflag:s21], $0x800  }
0x79: {  	[sflag:s21] =	ssyncset.done $0x0  }
0x7a: {  	[sflag:s21] =	ssyncadd.s32 $0xFFFFF800  }
0x7b: {  	[hbm:s15], [sflag:s8] =	dma.local [spmem:s0], $0x800  }
0x7c: {  	_ =	swait.ge [sflag:s21], $0x800  }
0x7d: {  	[sflag:s21] =	ssyncset.done $0x0  }
0x7e: {  	[sflag:s21] =	ssyncadd.s32 $0xFFFFF800  }
0x7f: {  	[hbm:s16], [sflag:s8] =	dma.local [spmem:s4], $0x800  }
0x80: {  	_ =	swait.ge [sflag:s21], $0x800  }
0x81: {  	[sflag:s21] =	ssyncset.done $0x0  }
0x82: {  	[sflag:s21] =	ssyncadd.s32 $0xFFFFF800  }
0x83: {  	[hbm:s17], [sflag:s8] =	dma.local [spmem:s2], $0x800  }
0x84: {  	s30 =	sadd.s32 $0x1, s30;
	_ =	swait.ge [sflag:s21], $0x800  }
0x85: {  	p0 =	sne.s32 s30, s19;
	[sflag:s21] =	ssyncset.done $0x0  }
.Ltmp2:
0x86: {  	[sflag:s21] =	ssyncadd.s32 $0xFFFFF800;
	(pc) =	sbr.rel @p0 .LBB2_1-.Ltmp2, $4  }
0x87: {  	[hbm:s18], [sflag:s8] =	dma.local [spmem:s7], $0x800  }
0x88: {  	_ =	swait.ge [sflag:s21], $0x800  }
0x89: {  	[sflag:s21] =	ssyncset.done $0x0  }
0x8a: {  	[sflag:s21] =	ssyncadd.s32 $0xFFFFF800  }
0x8b: {  	_ =	sfence.sel $0x180000  }
0x8c: {  	[bflag:$0x0] =	sbarrier.arrive $0xFFFF  }
0x8d: {  	_ =	strace $0x90000047  }
0x8e: {  	s0 =	stileid.u32;
	[bflag:$0x2] =	sbarrier.arrive $0xFFFF  }
0x8f: {  	p0 =	sne.s32 s0, $0x0;
	s0 =	rddreg [dreg:$0x4]  }
0x90: {  	s0 =	sadd.s32 @!p0 $0x100000, s0  }
0x91: {  	[sflag:s0] =	ssyncadd.tile.s32 @!p0 $0x1;
	_ =	shalt  }
.Lfunc_end2:
_tile_overlayer_lowered:
.L_overlay_start_2:
0x92: {  	(tag) =	ssettag $0x2  }
0x93: {  	s0 =	rddreg [dreg:$0x0];
	s2 =	stileid.u32  }
0x94: {  	s1 =	rddreg [dreg:$0x1];
	p0 =	sne.s32 s2, $0x0  }
0x95: {  	s3 =	rddreg [dreg:$0x2];
	[bflag:$0x3] =	sbarrier.arrive $0xFFFF;
	s2 =	simm.s32 @!p0 $0x1C02  }
0x96: {  	[timem:s3], [sflag:s2] =	dma.local @!p0 [hbm:s0], s1  }
0x97: {  	s0 =	simm.s32 @!p0 $0x2  }
0x98: {  	_ =	swait.ge @!p0 [sflag:s0], s1  }
0x99: {  	s1 =	ssub.s32 @!p0 $0x0, s1;
	[sflag:s0] =	ssyncset.done @!p0 $0x0  }
0x9a: {  	[sflag:s0] =	ssyncadd.s32 @!p0 s1  }
0x9b: {  	[bflag:$0x3] =	sbarrier.arrive $0xFFFF  }
0x9c: {  	_ =	shalt  }

</sc_bundles>
